<compile_context>
chip_gen: v7x
topology: tpu7x:2x2x1
jax: 0.10.2.dev20260603
libtpu: 0.0.44.dev20260713+nightly
codegen_flags: <defaults>
</compile_context>

<pallas_src>
import functools

import jax
import jax.numpy as jnp
from jax import lax
from jax.experimental import pallas as pl
from jax.experimental.pallas import tpu as pltpu
from jax.experimental.pallas import tpu_sc as plsc

_B = 16384
_IN_DIM = 768
_H1 = 512
_H2 = 256
_E_DIM = 64
_L = 3
_K = 256
_NE = 10
_BETA = 0.001
_BM = 2048
_NB = _B // _BM

_SC_CORES = 2
_SC_SUBCORES = 16
_NW = _SC_CORES * _SC_SUBCORES
_BW = _B // _NW
_QW = 2 * _E_DIM
_CH = 128
_NCH = _BW // _CH


def _row_spec(w):
    return pl.BlockSpec((_BM, w), lambda i: (i, 0))


def _full_spec(shape):
    nd = len(shape)
    return pl.BlockSpec(shape, lambda i: (0,) * nd)


def _st_update(r, xhat, q):
    u = r + (q - r)
    return r - u, xhat + u


def _vq_argmin(r, cbl, cn, lab):
    rn = jnp.sum(r * r, axis=1)[:, None]
    sc = jnp.dot(r, cbl.T, preferred_element_type=jnp.float32)
    d = (rn - 2.0 * sc) + cn
    col = jax.lax.broadcasted_iota(jnp.int32, (1, _NE * _K), 1)
    d = jnp.where((col // _K) == lab, d, jnp.float32(1e30))
    return jnp.argmin(d, axis=1).astype(jnp.int32)[:, None]


def _enc_vq0_body(x_ref, lab_ref, We0, be0, We1, be1, We2, be2, cb_ref,
                  cn_ref, z_ref, fi_ref):
    h = jnp.maximum(jnp.dot(x_ref[...], We0[...],
                            preferred_element_type=jnp.float32) + be0[...], 0.0)
    h = jnp.maximum(jnp.dot(h, We1[...],
                            preferred_element_type=jnp.float32) + be1[...], 0.0)
    z = jnp.dot(h, We2[...], preferred_element_type=jnp.float32) + be2[...]
    z_ref[...] = z
    fi_ref[...] = _vq_argmin(z, cb_ref[...], cn_ref[...], lab_ref[...])


def _vq_body(*refs):
    (z_ref, lab_ref, cn_ref, cb_ref), rest = refs[:4], refs[4:]
    xq_refs, fi_ref = rest[:-1], rest[-1]
    r = z_ref[...]
    xhat = jnp.zeros_like(r)
    for q_ref in xq_refs:
        r, xhat = _st_update(r, xhat, q_ref[...][:, :_E_DIM])
    fi_ref[...] = _vq_argmin(r, cb_ref[...], cn_ref[...], lab_ref[...])


def _dec_body(z_ref, xq0_ref, xq1_ref, xq2_ref,
              Wd0, bd0, Wd1, bd1, Wd2, bd2,
              out_ref, xhat_ref, l0_ref, l1_ref, l2_ref):
    i = pl.program_id(0)
    r = z_ref[...]
    xhat = jnp.zeros_like(r)
    loss_refs = (l0_ref, l1_ref, l2_ref)
    for l, q_ref in enumerate((xq0_ref, xq1_ref, xq2_ref)):
        q = q_ref[...][:, :_E_DIM]
        diff = q - r
        lsum = jnp.sum(diff * diff).reshape(1, 1)
        r, xhat = _st_update(r, xhat, q)

        @pl.when(i == 0)
        def _():
            loss_refs[l][...] = lsum

        @pl.when(i != 0)
        def _():
            loss_refs[l][...] = loss_refs[l][...] + lsum

    xhat_ref[...] = xhat
    h = jnp.maximum(jnp.dot(xhat, Wd0[...],
                            preferred_element_type=jnp.float32) + bd0[...], 0.0)
    h = jnp.maximum(jnp.dot(h, Wd1[...],
                            preferred_element_type=jnp.float32) + bd1[...], 0.0)
    out_ref[...] = jnp.dot(h, Wd2[...],
                           preferred_element_type=jnp.float32) + bd2[...]


def _sc_gather(table, idx2d):
    mesh = plsc.VectorSubcoreMesh(core_axis_name="c", subcore_axis_name="s")

    @functools.partial(
        pl.kernel, mesh=mesh,
        out_type=jax.ShapeDtypeStruct((_B, _QW), jnp.float32),
        scratch_types=[
            pltpu.VMEM((_NCH, _CH), jnp.int32),
            pltpu.VMEM((_BW, _QW), jnp.float32),
            pltpu.SemaphoreType.DMA,
        ],
    )
    def k(table_hbm, idx_hbm, out_hbm, idx_v, rows_v, sem):
        wid = lax.axis_index("s") * _SC_CORES + lax.axis_index("c")
        pltpu.sync_copy(idx_hbm.at[pl.ds(wid * _NCH, _NCH)], idx_v)
        copies = [
            pltpu.async_copy(table_hbm.at[idx_v.at[j]],
                             rows_v.at[pl.ds(j * _CH, _CH)], sem)
            for j in range(_NCH)
        ]
        for c in copies:
            c.wait()
        pltpu.sync_copy(rows_v, out_hbm.at[pl.ds(wid * _BW, _BW)])

    return k(table, idx2d)


def _vq_call(z, lab2, cn, cbl, xqs):
    return pl.pallas_call(
        _vq_body,
        grid=(_NB,),
        in_specs=[
            _row_spec(_E_DIM), _row_spec(1),
            _full_spec((1, _NE * _K)), _full_spec((_NE * _K, _E_DIM)),
        ] + [_row_spec(_QW)] * len(xqs),
        out_specs=[_row_spec(1)],
        out_shape=[jax.ShapeDtypeStruct((_B, 1), jnp.int32)],
    )(z, lab2, cn, cbl, *xqs)[0]


@jax.jit
def _run(x, labels, We0, be0, We1, be1, We2, be2,
         Wd0, bd0, Wd1, bd1, Wd2, bd2, codebooks):
    lab2 = labels.astype(jnp.int32).reshape(_B, 1)
    cbf = codebooks.reshape(_L, _NE * _K, _E_DIM)
    cbp = jnp.pad(cbf, ((0, 0), (0, 0), (0, _QW - _E_DIM)))
    biases = [b.reshape(1, -1) for b in (be0, be1, be2, bd0, bd1, bd2)]
    (be0r, be1r, be2r, bd0r, bd1r, bd2r) = biases

    cns = [jnp.sum(cbf[l] * cbf[l], axis=1)[None, :] for l in range(_L)]

    z, fi0 = pl.pallas_call(
        _enc_vq0_body,
        grid=(_NB,),
        in_specs=[
            _row_spec(_IN_DIM), _row_spec(1),
            _full_spec((_IN_DIM, _H1)), _full_spec((1, _H1)),
            _full_spec((_H1, _H2)), _full_spec((1, _H2)),
            _full_spec((_H2, _E_DIM)), _full_spec((1, _E_DIM)),
            _full_spec((_NE * _K, _E_DIM)), _full_spec((1, _NE * _K)),
        ],
        out_specs=[_row_spec(_E_DIM), _row_spec(1)],
        out_shape=[
            jax.ShapeDtypeStruct((_B, _E_DIM), jnp.float32),
            jax.ShapeDtypeStruct((_B, 1), jnp.int32),
        ],
    )(x, lab2, We0, be0r, We1, be1r, We2, be2r, cbf[0], cns[0])

    fis, xqs = [fi0], []
    for l in range(_L):
        if l > 0:
            fis.append(_vq_call(z, lab2, cns[l], cbf[l], xqs))
        xqs.append(_sc_gather(cbp[l], fis[-1].reshape(_B // _CH, _CH)))

    out, xhat, l0, l1, l2 = pl.pallas_call(
        _dec_body,
        grid=(_NB,),
        in_specs=[
            _row_spec(_E_DIM), _row_spec(_QW),
            _row_spec(_QW), _row_spec(_QW),
            _full_spec((_E_DIM, _H2)), _full_spec((1, _H2)),
            _full_spec((_H2, _H1)), _full_spec((1, _H1)),
            _full_spec((_H1, _IN_DIM)), _full_spec((1, _IN_DIM)),
        ],
        out_specs=[
            _row_spec(_IN_DIM), _row_spec(_E_DIM),
            _full_spec((1, 1)), _full_spec((1, 1)), _full_spec((1, 1)),
        ],
        out_shape=[
            jax.ShapeDtypeStruct((_B, _IN_DIM), jnp.float32),
            jax.ShapeDtypeStruct((_B, _E_DIM), jnp.float32),
            jax.ShapeDtypeStruct((1, 1), jnp.float32),
            jax.ShapeDtypeStruct((1, 1), jnp.float32),
            jax.ShapeDtypeStruct((1, 1), jnp.float32),
        ],
    )(z, xqs[0], xqs[1], xqs[2], Wd0, bd0r, Wd1, bd1r, Wd2, bd2r)

    indices = jnp.concatenate(fis, axis=1) - lab2 * _K
    denom = jnp.float32(_B * _E_DIM)
    per_level = jnp.stack([l0[0, 0], l1[0, 0], l2[0, 0]]) / denom
    rq_loss = jnp.mean(per_level * (1.0 + _BETA))
    return out, rq_loss, indices, xhat


def kernel(x, labels, We0, be0, We1, be1, We2, be2,
           Wd0, bd0, Wd1, bd1, Wd2, bd2, codebooks):
    return _run(x, labels, We0, be0, We1, be1, We2, be2,
                Wd0, bd0, Wd1, bd1, Wd2, bd2, codebooks)

# --- scband reference (transcript-rebuilt; emitter-appended) ---
"""Pipeline reference for scband-mo-e-rqvae-no-cf-48241072668752 (READ-ONLY COPY).

The authoritative reference and input builder live on the scoring server;
editing this copy changes nothing except your own understanding.
"""

import jax, jax.numpy as jnp
import numpy as np

B = 16384
IN_DIM = 768
H1 = 512
H2 = 256
E_DIM = 64
L = 3
K = 256
NE = 10
BETA = 0.001


def setup_inputs(seed: int = 0) -> dict:
    key = jax.random.key(seed)
    ks = jax.random.split(key, 16)
    inp = {}
    inp["x"] = jax.random.normal(ks[0], (B, IN_DIM), dtype=jnp.float32)
    inp["labels"] = jax.random.randint(ks[1], (B,), 0, NE, dtype=jnp.int64 if jax.config.jax_enable_x64 else jnp.int32)
    enc_dims = [IN_DIM, H1, H2, E_DIM]
    for i, (a, b) in enumerate(zip(enc_dims[:-1], enc_dims[1:])):
        inp[f"We{i}"] = jax.random.normal(ks[2 + i], (a, b), dtype=jnp.float32) * (2.0 / a) ** 0.5
        inp[f"be{i}"] = jnp.zeros((b,), dtype=jnp.float32)
    dec_dims = enc_dims[::-1]
    for i, (a, b) in enumerate(zip(dec_dims[:-1], dec_dims[1:])):
        inp[f"Wd{i}"] = jax.random.normal(ks[5 + i], (a, b), dtype=jnp.float32) * (2.0 / a) ** 0.5
        inp[f"bd{i}"] = jnp.zeros((b,), dtype=jnp.float32)
    inp["codebooks"] = jax.random.normal(ks[8], (L, NE, K, E_DIM), dtype=jnp.float32) * 0.05
    return inp


def _mlp(z, Ws, bs):
    n = len(Ws)
    for i, (W, b) in enumerate(zip(Ws, bs)):
        z = z @ W + b
        if i != n - 1:
            z = jax.nn.relu(z)
    return z


def reference(x, labels, We0, be0, We1, be1, We2, be2, Wd0, bd0, Wd1, bd1, Wd2, bd2, codebooks):
    lab = labels.astype(jnp.int32)
    # encoder MLP: 768 -> 512 -> 256 -> 64 (ReLU between, linear head)
    z = _mlp(x, [We0, We1, We2], [be0, be1, be2])
    # residual vector quantization with per-sample expert codebook selection
    residual = z
    x_hat = jnp.zeros_like(z)
    losses = []
    idx_list = []
    for l in range(L):
        cb = codebooks[l]  # [NE, K, E_DIM]
        d = (jnp.sum(residual ** 2, axis=1)[:, None, None]
             - 2.0 * jnp.einsum('bd,ekd->bek', residual, cb)
             + jnp.sum(cb ** 2, axis=2)[None, :, :])  # [B, NE, K]
        d_sel = jnp.take_along_axis(d, lab[:, None, None], axis=1)[:, 0, :]  # [B, K]
        idx = jnp.argmin(d_sel, axis=1)  # [B]
        x_q = cb[lab, idx]  # [B, E_DIM]
        commit = jnp.mean((jax.lax.stop_gradient(x_q) - residual) ** 2)
        codebook_loss = jnp.mean((x_q - jax.lax.stop_gradient(residual)) ** 2)
        losses.append(codebook_loss + BETA * commit)
        x_q_st = residual + jax.lax.stop_gradient(x_q - residual)  # straight-through
        x_hat = x_hat + x_q_st
        residual = residual - x_q_st
        idx_list.append(idx)
    rq_loss = jnp.mean(jnp.stack(losses))
    indices = jnp.stack(idx_list, axis=-1)  # [B, L]
    # decoder MLP: 64 -> 256 -> 512 -> 768
    out = _mlp(x_hat, [Wd0, Wd1, Wd2], [bd0, bd1, bd2])
    return (out, rq_loss, indices, x_hat)

if __name__ == "__main__":
    import jax
    _d = setup_inputs()
    print(jax.jit(kernel)(*tuple(_d.values())))

</pallas_src>

<mosaic_0001>
#map = affine_map<(d0, d1) -> (0, 0)>
module attributes {stable_mosaic.version = 14 : i64} {
  func.func @k(%arg0: i32, %arg1: i32, %arg2: memref<2560x128xf32, #tpu.memory_space<hbm>>, %arg3: memref<128x128xi32, #tpu.memory_space<hbm>>, %arg4: memref<16384x128xf32, #tpu.memory_space<hbm>>, %arg5: memref<4x128xi32, #tpu.memory_space<vmem>>, %arg6: memref<512x128xf32, #tpu.memory_space<vmem>>, %arg7: memref<!tpu.dma_semaphore, #tpu.memory_space<semaphore_mem>>) attributes {dimension_semantics = [#tpu.dimension_semantics<core_parallel>, #tpu.dimension_semantics<subcore_parallel>], iteration_bounds = array<i64: 2, 16>, scalar_prefetch = 0 : i64, scratch_operands = 3 : i64, tpu.core_type = #tpu.core_type<sc_vector_subcore>, window_params = [{transform_indices = #map}, {transform_indices = #map}, {transform_indices = #map}]} {
    %mul3A = arith.constant 2 : i32
    %mul3A_0 = arith.muli %arg1, %mul3A : i32
    %add3A = arith.addi %mul3A_0, %arg0 : i32
    %mul3A_1 = arith.constant 4 : i32
    %mul3A_2 = arith.muli %add3A, %mul3A_1 : i32
    "tpu.region"() ({
      %run_scoped3A = tpu.sem_alloc : memref<!tpu.dma_semaphore, #tpu.memory_space<semaphore_mem>>
      %dma_start3A_83 = arith.constant 0 : i32
      %dma_start3A_84 = tpu.memref_slice %arg3[%mul3A_2, %dma_start3A_83] : memref<128x128xi32, #tpu.memory_space<hbm>> -> memref<4x128xi32, #tpu.memory_space<hbm>>
      %dma_start3A_85 = arith.constant 0 : i32
      %dma_start3A_86 = tpu.memref_slice %arg3[%mul3A_2, %dma_start3A_85] : memref<128x128xi32, #tpu.memory_space<hbm>> -> memref<4x128xi32, #tpu.memory_space<hbm>>
      tpu.enqueue_dma source(%dma_start3A_86 : memref<4x128xi32, #tpu.memory_space<hbm>>) target(%arg5 : memref<4x128xi32, #tpu.memory_space<vmem>>) target_semaphore(%run_scoped3A : memref<!tpu.dma_semaphore, #tpu.memory_space<semaphore_mem>>)
      %dma_wait3A_87 = arith.constant 0 : i32
      %dma_wait3A_88 = tpu.memref_slice %arg3[%mul3A_2, %dma_wait3A_87] : memref<128x128xi32, #tpu.memory_space<hbm>> -> memref<4x128xi32, #tpu.memory_space<hbm>>
      %dma_wait3A_89 = arith.constant 0 : i32
      %dma_wait3A_90 = tpu.memref_slice %arg3[%mul3A_2, %dma_wait3A_89] : memref<128x128xi32, #tpu.memory_space<hbm>> -> memref<4x128xi32, #tpu.memory_space<hbm>>
      tpu.wait_dma2 semaphore(%run_scoped3A : memref<!tpu.dma_semaphore, #tpu.memory_space<semaphore_mem>>) src(%dma_wait3A_90 : memref<4x128xi32, #tpu.memory_space<hbm>>) dst(%arg5 : memref<4x128xi32, #tpu.memory_space<vmem>>)
      tpu.yield
    }) : () -> ()
    %dma_start3A = arith.constant 0 : i32
    %dma_start3A_3 = arith.constant 0 : i32
    %dma_start3A_4 = arith.constant 0 : i32
    %dma_start3A_5 = tpu.memref_slice %arg6[%dma_start3A_3, %dma_start3A_4] : memref<512x128xf32, #tpu.memory_space<vmem>> -> memref<128x128xf32, #tpu.memory_space<vmem>>
    %dma_start3A_6 = arith.constant 0 : i32
    %dma_start3A_7 = tpu.memref_slice %arg5[%dma_start3A, %dma_start3A_6] : memref<4x128xi32, #tpu.memory_space<vmem>> -> memref<1x128xi32, #tpu.memory_space<vmem>>
    %dma_start3A_8 = tpu.memref_squeeze %dma_start3A_7 : memref<1x128xi32, #tpu.memory_space<vmem>> -> memref<128xi32, #tpu.memory_space<vmem>>
    %dma_start3A_9 = arith.constant 0 : i32
    %dma_start3A_10 = arith.constant 0 : i32
    %dma_start3A_11 = tpu.memref_slice %arg2[%dma_start3A_9, %dma_start3A_10] : memref<2560x128xf32, #tpu.memory_space<hbm>> -> memref<2560x128xf32, #tpu.memory_space<hbm>>
    tpu.enqueue_indirect_dma source(%dma_start3A_11 : memref<2560x128xf32, #tpu.memory_space<hbm>>) target(%dma_start3A_5 : memref<128x128xf32, #tpu.memory_space<vmem>>) offsets(%dma_start3A_8 : memref<128xi32, #tpu.memory_space<vmem>>) semaphore(%arg7 : memref<!tpu.dma_semaphore, #tpu.memory_space<semaphore_mem>>)
    %dma_start3A_12 = arith.constant 1 : i32
    %dma_start3A_13 = arith.constant 128 : i32
    %dma_start3A_14 = arith.constant 0 : i32
    %dma_start3A_15 = tpu.memref_slice %arg6[%dma_start3A_13, %dma_start3A_14] : memref<512x128xf32, #tpu.memory_space<vmem>> -> memref<128x128xf32, #tpu.memory_space<vmem>>
    %dma_start3A_16 = arith.constant 0 : i32
    %dma_start3A_17 = tpu.memref_slice %arg5[%dma_start3A_12, %dma_start3A_16] : memref<4x128xi32, #tpu.memory_space<vmem>> -> memref<1x128xi32, #tpu.memory_space<vmem>>
    %dma_start3A_18 = tpu.memref_squeeze %dma_start3A_17 : memref<1x128xi32, #tpu.memory_space<vmem>> -> memref<128xi32, #tpu.memory_space<vmem>>
    %dma_start3A_19 = arith.constant 0 : i32
    %dma_start3A_20 = arith.constant 0 : i32
    %dma_start3A_21 = tpu.memref_slice %arg2[%dma_start3A_19, %dma_start3A_20] : memref<2560x128xf32, #tpu.memory_space<hbm>> -> memref<2560x128xf32, #tpu.memory_space<hbm>>
    tpu.enqueue_indirect_dma source(%dma_start3A_21 : memref<2560x128xf32, #tpu.memory_space<hbm>>) target(%dma_start3A_15 : memref<128x128xf32, #tpu.memory_space<vmem>>) offsets(%dma_start3A_18 : memref<128xi32, #tpu.memory_space<vmem>>) semaphore(%arg7 : memref<!tpu.dma_semaphore, #tpu.memory_space<semaphore_mem>>)
    %dma_start3A_22 = arith.constant 2 : i32
    %dma_start3A_23 = arith.constant 256 : i32
    %dma_start3A_24 = arith.constant 0 : i32
    %dma_start3A_25 = tpu.memref_slice %arg6[%dma_start3A_23, %dma_start3A_24] : memref<512x128xf32, #tpu.memory_space<vmem>> -> memref<128x128xf32, #tpu.memory_space<vmem>>
    %dma_start3A_26 = arith.constant 0 : i32
    %dma_start3A_27 = tpu.memref_slice %arg5[%dma_start3A_22, %dma_start3A_26] : memref<4x128xi32, #tpu.memory_space<vmem>> -> memref<1x128xi32, #tpu.memory_space<vmem>>
    %dma_start3A_28 = tpu.memref_squeeze %dma_start3A_27 : memref<1x128xi32, #tpu.memory_space<vmem>> -> memref<128xi32, #tpu.memory_space<vmem>>
    %dma_start3A_29 = arith.constant 0 : i32
    %dma_start3A_30 = arith.constant 0 : i32
    %dma_start3A_31 = tpu.memref_slice %arg2[%dma_start3A_29, %dma_start3A_30] : memref<2560x128xf32, #tpu.memory_space<hbm>> -> memref<2560x128xf32, #tpu.memory_space<hbm>>
    tpu.enqueue_indirect_dma source(%dma_start3A_31 : memref<2560x128xf32, #tpu.memory_space<hbm>>) target(%dma_start3A_25 : memref<128x128xf32, #tpu.memory_space<vmem>>) offsets(%dma_start3A_28 : memref<128xi32, #tpu.memory_space<vmem>>) semaphore(%arg7 : memref<!tpu.dma_semaphore, #tpu.memory_space<semaphore_mem>>)
    %dma_start3A_32 = arith.constant 3 : i32
    %dma_start3A_33 = arith.constant 384 : i32
    %dma_start3A_34 = arith.constant 0 : i32
    %dma_start3A_35 = tpu.memref_slice %arg6[%dma_start3A_33, %dma_start3A_34] : memref<512x128xf32, #tpu.memory_space<vmem>> -> memref<128x128xf32, #tpu.memory_space<vmem>>
    %dma_start3A_36 = arith.constant 0 : i32
    %dma_start3A_37 = tpu.memref_slice %arg5[%dma_start3A_32, %dma_start3A_36] : memref<4x128xi32, #tpu.memory_space<vmem>> -> memref<1x128xi32, #tpu.memory_space<vmem>>
    %dma_start3A_38 = tpu.memref_squeeze %dma_start3A_37 : memref<1x128xi32, #tpu.memory_space<vmem>> -> memref<128xi32, #tpu.memory_space<vmem>>
    %dma_start3A_39 = arith.constant 0 : i32
    %dma_start3A_40 = arith.constant 0 : i32
    %dma_start3A_41 = tpu.memref_slice %arg2[%dma_start3A_39, %dma_start3A_40] : memref<2560x128xf32, #tpu.memory_space<hbm>> -> memref<2560x128xf32, #tpu.memory_space<hbm>>
    tpu.enqueue_indirect_dma source(%dma_start3A_41 : memref<2560x128xf32, #tpu.memory_space<hbm>>) target(%dma_start3A_35 : memref<128x128xf32, #tpu.memory_space<vmem>>) offsets(%dma_start3A_38 : memref<128xi32, #tpu.memory_space<vmem>>) semaphore(%arg7 : memref<!tpu.dma_semaphore, #tpu.memory_space<semaphore_mem>>)
    %dma_wait3A = arith.constant 0 : i32
    %dma_wait3A_42 = arith.constant 0 : i32
    %dma_wait3A_43 = arith.constant 0 : i32
    %dma_wait3A_44 = tpu.memref_slice %arg6[%dma_wait3A_42, %dma_wait3A_43] : memref<512x128xf32, #tpu.memory_space<vmem>> -> memref<128x128xf32, #tpu.memory_space<vmem>>
    %dma_wait3A_45 = arith.constant 0 : i32
    %dma_wait3A_46 = tpu.memref_slice %arg5[%dma_wait3A, %dma_wait3A_45] : memref<4x128xi32, #tpu.memory_space<vmem>> -> memref<1x128xi32, #tpu.memory_space<vmem>>
    %dma_wait3A_47 = tpu.memref_squeeze %dma_wait3A_46 : memref<1x128xi32, #tpu.memory_space<vmem>> -> memref<128xi32, #tpu.memory_space<vmem>>
    %dma_wait3A_48 = arith.constant 0 : i32
    %dma_wait3A_49 = arith.constant 0 : i32
    %dma_wait3A_50 = tpu.memref_slice %arg2[%dma_wait3A_48, %dma_wait3A_49] : memref<2560x128xf32, #tpu.memory_space<hbm>> -> memref<2560x128xf32, #tpu.memory_space<hbm>>
    tpu.wait_indirect_dma semaphore(%arg7 : memref<!tpu.dma_semaphore, #tpu.memory_space<semaphore_mem>>) src(%dma_wait3A_50 : memref<2560x128xf32, #tpu.memory_space<hbm>>) dst(%dma_wait3A_44 : memref<128x128xf32, #tpu.memory_space<vmem>>)
    %dma_wait3A_51 = arith.constant 1 : i32
    %dma_wait3A_52 = arith.constant 128 : i32
    %dma_wait3A_53 = arith.constant 0 : i32
    %dma_wait3A_54 = tpu.memref_slice %arg6[%dma_wait3A_52, %dma_wait3A_53] : memref<512x128xf32, #tpu.memory_space<vmem>> -> memref<128x128xf32, #tpu.memory_space<vmem>>
    %dma_wait3A_55 = arith.constant 0 : i32
    %dma_wait3A_56 = tpu.memref_slice %arg5[%dma_wait3A_51, %dma_wait3A_55] : memref<4x128xi32, #tpu.memory_space<vmem>> -> memref<1x128xi32, #tpu.memory_space<vmem>>
    %dma_wait3A_57 = tpu.memref_squeeze %dma_wait3A_56 : memref<1x128xi32, #tpu.memory_space<vmem>> -> memref<128xi32, #tpu.memory_space<vmem>>
    %dma_wait3A_58 = arith.constant 0 : i32
    %dma_wait3A_59 = arith.constant 0 : i32
    %dma_wait3A_60 = tpu.memref_slice %arg2[%dma_wait3A_58, %dma_wait3A_59] : memref<2560x128xf32, #tpu.memory_space<hbm>> -> memref<2560x128xf32, #tpu.memory_space<hbm>>
    tpu.wait_indirect_dma semaphore(%arg7 : memref<!tpu.dma_semaphore, #tpu.memory_space<semaphore_mem>>) src(%dma_wait3A_60 : memref<2560x128xf32, #tpu.memory_space<hbm>>) dst(%dma_wait3A_54 : memref<128x128xf32, #tpu.memory_space<vmem>>)
    %dma_wait3A_61 = arith.constant 2 : i32
    %dma_wait3A_62 = arith.constant 256 : i32
    %dma_wait3A_63 = arith.constant 0 : i32
    %dma_wait3A_64 = tpu.memref_slice %arg6[%dma_wait3A_62, %dma_wait3A_63] : memref<512x128xf32, #tpu.memory_space<vmem>> -> memref<128x128xf32, #tpu.memory_space<vmem>>
    %dma_wait3A_65 = arith.constant 0 : i32
    %dma_wait3A_66 = tpu.memref_slice %arg5[%dma_wait3A_61, %dma_wait3A_65] : memref<4x128xi32, #tpu.memory_space<vmem>> -> memref<1x128xi32, #tpu.memory_space<vmem>>
    %dma_wait3A_67 = tpu.memref_squeeze %dma_wait3A_66 : memref<1x128xi32, #tpu.memory_space<vmem>> -> memref<128xi32, #tpu.memory_space<vmem>>
    %dma_wait3A_68 = arith.constant 0 : i32
    %dma_wait3A_69 = arith.constant 0 : i32
    %dma_wait3A_70 = tpu.memref_slice %arg2[%dma_wait3A_68, %dma_wait3A_69] : memref<2560x128xf32, #tpu.memory_space<hbm>> -> memref<2560x128xf32, #tpu.memory_space<hbm>>
    tpu.wait_indirect_dma semaphore(%arg7 : memref<!tpu.dma_semaphore, #tpu.memory_space<semaphore_mem>>) src(%dma_wait3A_70 : memref<2560x128xf32, #tpu.memory_space<hbm>>) dst(%dma_wait3A_64 : memref<128x128xf32, #tpu.memory_space<vmem>>)
    %dma_wait3A_71 = arith.constant 3 : i32
    %dma_wait3A_72 = arith.constant 384 : i32
    %dma_wait3A_73 = arith.constant 0 : i32
    %dma_wait3A_74 = tpu.memref_slice %arg6[%dma_wait3A_72, %dma_wait3A_73] : memref<512x128xf32, #tpu.memory_space<vmem>> -> memref<128x128xf32, #tpu.memory_space<vmem>>
    %dma_wait3A_75 = arith.constant 0 : i32
    %dma_wait3A_76 = tpu.memref_slice %arg5[%dma_wait3A_71, %dma_wait3A_75] : memref<4x128xi32, #tpu.memory_space<vmem>> -> memref<1x128xi32, #tpu.memory_space<vmem>>
    %dma_wait3A_77 = tpu.memref_squeeze %dma_wait3A_76 : memref<1x128xi32, #tpu.memory_space<vmem>> -> memref<128xi32, #tpu.memory_space<vmem>>
    %dma_wait3A_78 = arith.constant 0 : i32
    %dma_wait3A_79 = arith.constant 0 : i32
    %dma_wait3A_80 = tpu.memref_slice %arg2[%dma_wait3A_78, %dma_wait3A_79] : memref<2560x128xf32, #tpu.memory_space<hbm>> -> memref<2560x128xf32, #tpu.memory_space<hbm>>
    tpu.wait_indirect_dma semaphore(%arg7 : memref<!tpu.dma_semaphore, #tpu.memory_space<semaphore_mem>>) src(%dma_wait3A_80 : memref<2560x128xf32, #tpu.memory_space<hbm>>) dst(%dma_wait3A_74 : memref<128x128xf32, #tpu.memory_space<vmem>>)
    %mul3A_81 = arith.constant 512 : i32
    %mul3A_82 = arith.muli %add3A, %mul3A_81 : i32
    "tpu.region"() ({
      %run_scoped3A = tpu.sem_alloc : memref<!tpu.dma_semaphore, #tpu.memory_space<semaphore_mem>>
      %dma_start3A_83 = arith.constant 0 : i32
      %dma_start3A_84 = tpu.memref_slice %arg4[%mul3A_82, %dma_start3A_83] : memref<16384x128xf32, #tpu.memory_space<hbm>> -> memref<512x128xf32, #tpu.memory_space<hbm>>
      %dma_start3A_85 = arith.constant 0 : i32
      %dma_start3A_86 = tpu.memref_slice %arg4[%mul3A_82, %dma_start3A_85] : memref<16384x128xf32, #tpu.memory_space<hbm>> -> memref<512x128xf32, #tpu.memory_space<hbm>>
      tpu.enqueue_dma source(%arg6 : memref<512x128xf32, #tpu.memory_space<vmem>>) target(%dma_start3A_86 : memref<512x128xf32, #tpu.memory_space<hbm>>) target_semaphore(%run_scoped3A : memref<!tpu.dma_semaphore, #tpu.memory_space<semaphore_mem>>)
      %dma_wait3A_87 = arith.constant 0 : i32
      %dma_wait3A_88 = tpu.memref_slice %arg4[%mul3A_82, %dma_wait3A_87] : memref<16384x128xf32, #tpu.memory_space<hbm>> -> memref<512x128xf32, #tpu.memory_space<hbm>>
      %dma_wait3A_89 = arith.constant 0 : i32
      %dma_wait3A_90 = tpu.memref_slice %arg4[%mul3A_82, %dma_wait3A_89] : memref<16384x128xf32, #tpu.memory_space<hbm>> -> memref<512x128xf32, #tpu.memory_space<hbm>>
      tpu.wait_dma2 semaphore(%run_scoped3A : memref<!tpu.dma_semaphore, #tpu.memory_space<semaphore_mem>>) src(%arg6 : memref<512x128xf32, #tpu.memory_space<vmem>>) dst(%dma_wait3A_90 : memref<512x128xf32, #tpu.memory_space<hbm>>)
      tpu.yield
    }) : () -> ()
    return
  }
}

#map = affine_map<(d0, d1) -> (0, 0)>
module attributes {stable_mosaic.version = 14 : i64} {
  func.func @k(%arg0: i32, %arg1: i32, %arg2: memref<2560x128xf32, #tpu.memory_space<hbm>>, %arg3: memref<128x128xi32, #tpu.memory_space<hbm>>, %arg4: memref<16384x128xf32, #tpu.memory_space<hbm>>, %arg5: memref<4x128xi32, #tpu.memory_space<vmem>>, %arg6: memref<512x128xf32, #tpu.memory_space<vmem>>, %arg7: memref<!tpu.dma_semaphore, #tpu.memory_space<semaphore_mem>>) attributes {dimension_semantics = [#tpu.dimension_semantics<core_parallel>, #tpu.dimension_semantics<subcore_parallel>], iteration_bounds = array<i64: 2, 16>, scalar_prefetch = 0 : i64, scratch_operands = 3 : i64, tpu.core_type = #tpu.core_type<sc_vector_subcore>, window_params = [{transform_indices = #map}, {transform_indices = #map}, {transform_indices = #map}]} {
    %mul3A = arith.constant 2 : i32
    %mul3A_0 = arith.muli %arg1, %mul3A : i32
    %add3A = arith.addi %mul3A_0, %arg0 : i32
    %mul3A_1 = arith.constant 4 : i32
    %mul3A_2 = arith.muli %add3A, %mul3A_1 : i32
    "tpu.region"() ({
      %run_scoped3A = tpu.sem_alloc : memref<!tpu.dma_semaphore, #tpu.memory_space<semaphore_mem>>
      %dma_start3A_83 = arith.constant 0 : i32
      %dma_start3A_84 = tpu.memref_slice %arg3[%mul3A_2, %dma_start3A_83] : memref<128x128xi32, #tpu.memory_space<hbm>> -> memref<4x128xi32, #tpu.memory_space<hbm>>
      %dma_start3A_85 = arith.constant 0 : i32
      %dma_start3A_86 = tpu.memref_slice %arg3[%mul3A_2, %dma_start3A_85] : memref<128x128xi32, #tpu.memory_space<hbm>> -> memref<4x128xi32, #tpu.memory_space<hbm>>
      tpu.enqueue_dma source(%dma_start3A_86 : memref<4x128xi32, #tpu.memory_space<hbm>>) target(%arg5 : memref<4x128xi32, #tpu.memory_space<vmem>>) target_semaphore(%run_scoped3A : memref<!tpu.dma_semaphore, #tpu.memory_space<semaphore_mem>>)
      %dma_wait3A_87 = arith.constant 0 : i32
      %dma_wait3A_88 = tpu.memref_slice %arg3[%mul3A_2, %dma_wait3A_87] : memref<128x128xi32, #tpu.memory_space<hbm>> -> memref<4x128xi32, #tpu.memory_space<hbm>>
      %dma_wait3A_89 = arith.constant 0 : i32
      %dma_wait3A_90 = tpu.memref_slice %arg3[%mul3A_2, %dma_wait3A_89] : memref<128x128xi32, #tpu.memory_space<hbm>> -> memref<4x128xi32, #tpu.memory_space<hbm>>
      tpu.wait_dma2 semaphore(%run_scoped3A : memref<!tpu.dma_semaphore, #tpu.memory_space<semaphore_mem>>) src(%dma_wait3A_90 : memref<4x128xi32, #tpu.memory_space<hbm>>) dst(%arg5 : memref<4x128xi32, #tpu.memory_space<vmem>>)
      tpu.yield
    }) : () -> ()
    %dma_start3A = arith.constant 0 : i32
    %dma_start3A_3 = arith.constant 0 : i32
    %dma_start3A_4 = arith.constant 0 : i32
    %dma_start3A_5 = tpu.memref_slice %arg6[%dma_start3A_3, %dma_start3A_4] : memref<512x128xf32, #tpu.memory_space<vmem>> -> memref<128x128xf32, #tpu.memory_space<vmem>>
    %dma_start3A_6 = arith.constant 0 : i32
    %dma_start3A_7 = tpu.memref_slice %arg5[%dma_start3A, %dma_start3A_6] : memref<4x128xi32, #tpu.memory_space<vmem>> -> memref<1x128xi32, #tpu.memory_space<vmem>>
    %dma_start3A_8 = tpu.memref_squeeze %dma_start3A_7 : memref<1x128xi32, #tpu.memory_space<vmem>> -> memref<128xi32, #tpu.memory_space<vmem>>
    %dma_start3A_9 = arith.constant 0 : i32
    %dma_start3A_10 = arith.constant 0 : i32
    %dma_start3A_11 = tpu.memref_slice %arg2[%dma_start3A_9, %dma_start3A_10] : memref<2560x128xf32, #tpu.memory_space<hbm>> -> memref<2560x128xf32, #tpu.memory_space<hbm>>
    tpu.enqueue_indirect_dma source(%dma_start3A_11 : memref<2560x128xf32, #tpu.memory_space<hbm>>) target(%dma_start3A_5 : memref<128x128xf32, #tpu.memory_space<vmem>>) offsets(%dma_start3A_8 : memref<128xi32, #tpu.memory_space<vmem>>) semaphore(%arg7 : memref<!tpu.dma_semaphore, #tpu.memory_space<semaphore_mem>>)
    %dma_start3A_12 = arith.constant 1 : i32
    %dma_start3A_13 = arith.constant 128 : i32
    %dma_start3A_14 = arith.constant 0 : i32
    %dma_start3A_15 = tpu.memref_slice %arg6[%dma_start3A_13, %dma_start3A_14] : memref<512x128xf32, #tpu.memory_space<vmem>> -> memref<128x128xf32, #tpu.memory_space<vmem>>
    %dma_start3A_16 = arith.constant 0 : i32
    %dma_start3A_17 = tpu.memref_slice %arg5[%dma_start3A_12, %dma_start3A_16] : memref<4x128xi32, #tpu.memory_space<vmem>> -> memref<1x128xi32, #tpu.memory_space<vmem>>
    %dma_start3A_18 = tpu.memref_squeeze %dma_start3A_17 : memref<1x128xi32, #tpu.memory_space<vmem>> -> memref<128xi32, #tpu.memory_space<vmem>>
    %dma_start3A_19 = arith.constant 0 : i32
    %dma_start3A_20 = arith.constant 0 : i32
    %dma_start3A_21 = tpu.memref_slice %arg2[%dma_start3A_19, %dma_start3A_20] : memref<2560x128xf32, #tpu.memory_space<hbm>> -> memref<2560x128xf32, #tpu.memory_space<hbm>>
    tpu.enqueue_indirect_dma source(%dma_start3A_21 : memref<2560x128xf32, #tpu.memory_space<hbm>>) target(%dma_start3A_15 : memref<128x128xf32, #tpu.memory_space<vmem>>) offsets(%dma_start3A_18 : memref<128xi32, #tpu.memory_space<vmem>>) semaphore(%arg7 : memref<!tpu.dma_semaphore, #tpu.memory_space<semaphore_mem>>)
    %dma_start3A_22 = arith.constant 2 : i32
    %dma_start3A_23 = arith.constant 256 : i32
    %dma_start3A_24 = arith.constant 0 : i32
    %dma_start3A_25 = tpu.memref_slice %arg6[%dma_start3A_23, %dma_start3A_24] : memref<512x128xf32, #tpu.memory_space<vmem>> -> memref<128x128xf32, #tpu.memory_space<vmem>>
    %dma_start3A_26 = arith.constant 0 : i32
    %dma_start3A_27 = tpu.memref_slice %arg5[%dma_start3A_22, %dma_start3A_26] : memref<4x128xi32, #tpu.memory_space<vmem>> -> memref<1x128xi32, #tpu.memory_space<vmem>>
    %dma_start3A_28 = tpu.memref_squeeze %dma_start3A_27 : memref<1x128xi32, #tpu.memory_space<vmem>> -> memref<128xi32, #tpu.memory_space<vmem>>
    %dma_start3A_29 = arith.constant 0 : i32
    %dma_start3A_30 = arith.constant 0 : i32
    %dma_start3A_31 = tpu.memref_slice %arg2[%dma_start3A_29, %dma_start3A_30] : memref<2560x128xf32, #tpu.memory_space<hbm>> -> memref<2560x128xf32, #tpu.memory_space<hbm>>
    tpu.enqueue_indirect_dma source(%dma_start3A_31 : memref<2560x128xf32, #tpu.memory_space<hbm>>) target(%dma_start3A_25 : memref<128x128xf32, #tpu.memory_space<vmem>>) offsets(%dma_start3A_28 : memref<128xi32, #tpu.memory_space<vmem>>) semaphore(%arg7 : memref<!tpu.dma_semaphore, #tpu.memory_space<semaphore_mem>>)
    %dma_start3A_32 = arith.constant 3 : i32
    %dma_start3A_33 = arith.constant 384 : i32
    %dma_start3A_34 = arith.constant 0 : i32
    %dma_start3A_35 = tpu.memref_slice %arg6[%dma_start3A_33, %dma_start3A_34] : memref<512x128xf32, #tpu.memory_space<vmem>> -> memref<128x128xf32, #tpu.memory_space<vmem>>
    %dma_start3A_36 = arith.constant 0 : i32
    %dma_start3A_37 = tpu.memref_slice %arg5[%dma_start3A_32, %dma_start3A_36] : memref<4x128xi32, #tpu.memory_space<vmem>> -> memref<1x128xi32, #tpu.memory_space<vmem>>
    %dma_start3A_38 = tpu.memref_squeeze %dma_start3A_37 : memref<1x128xi32, #tpu.memory_space<vmem>> -> memref<128xi32, #tpu.memory_space<vmem>>
    %dma_start3A_39 = arith.constant 0 : i32
    %dma_start3A_40 = arith.constant 0 : i32
    %dma_start3A_41 = tpu.memref_slice %arg2[%dma_start3A_39, %dma_start3A_40] : memref<2560x128xf32, #tpu.memory_space<hbm>> -> memref<2560x128xf32, #tpu.memory_space<hbm>>
    tpu.enqueue_indirect_dma source(%dma_start3A_41 : memref<2560x128xf32, #tpu.memory_space<hbm>>) target(%dma_start3A_35 : memref<128x128xf32, #tpu.memory_space<vmem>>) offsets(%dma_start3A_38 : memref<128xi32, #tpu.memory_space<vmem>>) semaphore(%arg7 : memref<!tpu.dma_semaphore, #tpu.memory_space<semaphore_mem>>)
    %dma_wait3A = arith.constant 0 : i32
    %dma_wait3A_42 = arith.constant 0 : i32
    %dma_wait3A_43 = arith.constant 0 : i32
    %dma_wait3A_44 = tpu.memref_slice %arg6[%dma_wait3A_42, %dma_wait3A_43] : memref<512x128xf32, #tpu.memory_space<vmem>> -> memref<128x128xf32, #tpu.memory_space<vmem>>
    %dma_wait3A_45 = arith.constant 0 : i32
    %dma_wait3A_46 = tpu.memref_slice %arg5[%dma_wait3A, %dma_wait3A_45] : memref<4x128xi32, #tpu.memory_space<vmem>> -> memref<1x128xi32, #tpu.memory_space<vmem>>
    %dma_wait3A_47 = tpu.memref_squeeze %dma_wait3A_46 : memref<1x128xi32, #tpu.memory_space<vmem>> -> memref<128xi32, #tpu.memory_space<vmem>>
    %dma_wait3A_48 = arith.constant 0 : i32
    %dma_wait3A_49 = arith.constant 0 : i32
    %dma_wait3A_50 = tpu.memref_slice %arg2[%dma_wait3A_48, %dma_wait3A_49] : memref<2560x128xf32, #tpu.memory_space<hbm>> -> memref<2560x128xf32, #tpu.memory_space<hbm>>
    tpu.wait_indirect_dma semaphore(%arg7 : memref<!tpu.dma_semaphore, #tpu.memory_space<semaphore_mem>>) src(%dma_wait3A_50 : memref<2560x128xf32, #tpu.memory_space<hbm>>) dst(%dma_wait3A_44 : memref<128x128xf32, #tpu.memory_space<vmem>>)
    %dma_wait3A_51 = arith.constant 1 : i32
    %dma_wait3A_52 = arith.constant 128 : i32
    %dma_wait3A_53 = arith.constant 0 : i32
    %dma_wait3A_54 = tpu.memref_slice %arg6[%dma_wait3A_52, %dma_wait3A_53] : memref<512x128xf32, #tpu.memory_space<vmem>> -> memref<128x128xf32, #tpu.memory_space<vmem>>
    %dma_wait3A_55 = arith.constant 0 : i32
    %dma_wait3A_56 = tpu.memref_slice %arg5[%dma_wait3A_51, %dma_wait3A_55] : memref<4x128xi32, #tpu.memory_space<vmem>> -> memref<1x128xi32, #tpu.memory_space<vmem>>
    %dma_wait3A_57 = tpu.memref_squeeze %dma_wait3A_56 : memref<1x128xi32, #tpu.memory_space<vmem>> -> memref<128xi32, #tpu.memory_space<vmem>>
    %dma_wait3A_58 = arith.constant 0 : i32
    %dma_wait3A_59 = arith.constant 0 : i32
    %dma_wait3A_60 = tpu.memref_slice %arg2[%dma_wait3A_58, %dma_wait3A_59] : memref<2560x128xf32, #tpu.memory_space<hbm>> -> memref<2560x128xf32, #tpu.memory_space<hbm>>
    tpu.wait_indirect_dma semaphore(%arg7 : memref<!tpu.dma_semaphore, #tpu.memory_space<semaphore_mem>>) src(%dma_wait3A_60 : memref<2560x128xf32, #tpu.memory_space<hbm>>) dst(%dma_wait3A_54 : memref<128x128xf32, #tpu.memory_space<vmem>>)
    %dma_wait3A_61 = arith.constant 2 : i32
    %dma_wait3A_62 = arith.constant 256 : i32
    %dma_wait3A_63 = arith.constant 0 : i32
    %dma_wait3A_64 = tpu.memref_slice %arg6[%dma_wait3A_62, %dma_wait3A_63] : memref<512x128xf32, #tpu.memory_space<vmem>> -> memref<128x128xf32, #tpu.memory_space<vmem>>
    %dma_wait3A_65 = arith.constant 0 : i32
    %dma_wait3A_66 = tpu.memref_slice %arg5[%dma_wait3A_61, %dma_wait3A_65] : memref<4x128xi32, #tpu.memory_space<vmem>> -> memref<1x128xi32, #tpu.memory_space<vmem>>
    %dma_wait3A_67 = tpu.memref_squeeze %dma_wait3A_66 : memref<1x128xi32, #tpu.memory_space<vmem>> -> memref<128xi32, #tpu.memory_space<vmem>>
    %dma_wait3A_68 = arith.constant 0 : i32
    %dma_wait3A_69 = arith.constant 0 : i32
    %dma_wait3A_70 = tpu.memref_slice %arg2[%dma_wait3A_68, %dma_wait3A_69] : memref<2560x128xf32, #tpu.memory_space<hbm>> -> memref<2560x128xf32, #tpu.memory_space<hbm>>
    tpu.wait_indirect_dma semaphore(%arg7 : memref<!tpu.dma_semaphore, #tpu.memory_space<semaphore_mem>>) src(%dma_wait3A_70 : memref<2560x128xf32, #tpu.memory_space<hbm>>) dst(%dma_wait3A_64 : memref<128x128xf32, #tpu.memory_space<vmem>>)
    %dma_wait3A_71 = arith.constant 3 : i32
    %dma_wait3A_72 = arith.constant 384 : i32
    %dma_wait3A_73 = arith.constant 0 : i32
    %dma_wait3A_74 = tpu.memref_slice %arg6[%dma_wait3A_72, %dma_wait3A_73] : memref<512x128xf32, #tpu.memory_space<vmem>> -> memref<128x128xf32, #tpu.memory_space<vmem>>
    %dma_wait3A_75 = arith.constant 0 : i32
    %dma_wait3A_76 = tpu.memref_slice %arg5[%dma_wait3A_71, %dma_wait3A_75] : memref<4x128xi32, #tpu.memory_space<vmem>> -> memref<1x128xi32, #tpu.memory_space<vmem>>
    %dma_wait3A_77 = tpu.memref_squeeze %dma_wait3A_76 : memref<1x128xi32, #tpu.memory_space<vmem>> -> memref<128xi32, #tpu.memory_space<vmem>>
    %dma_wait3A_78 = arith.constant 0 : i32
    %dma_wait3A_79 = arith.constant 0 : i32
    %dma_wait3A_80 = tpu.memref_slice %arg2[%dma_wait3A_78, %dma_wait3A_79] : memref<2560x128xf32, #tpu.memory_space<hbm>> -> memref<2560x128xf32, #tpu.memory_space<hbm>>
    tpu.wait_indirect_dma semaphore(%arg7 : memref<!tpu.dma_semaphore, #tpu.memory_space<semaphore_mem>>) src(%dma_wait3A_80 : memref<2560x128xf32, #tpu.memory_space<hbm>>) dst(%dma_wait3A_74 : memref<128x128xf32, #tpu.memory_space<vmem>>)
    %mul3A_81 = arith.constant 512 : i32
    %mul3A_82 = arith.muli %add3A, %mul3A_81 : i32
    "tpu.region"() ({
      %run_scoped3A = tpu.sem_alloc : memref<!tpu.dma_semaphore, #tpu.memory_space<semaphore_mem>>
      %dma_start3A_83 = arith.constant 0 : i32
      %dma_start3A_84 = tpu.memref_slice %arg4[%mul3A_82, %dma_start3A_83] : memref<16384x128xf32, #tpu.memory_space<hbm>> -> memref<512x128xf32, #tpu.memory_space<hbm>>
      %dma_start3A_85 = arith.constant 0 : i32
      %dma_start3A_86 = tpu.memref_slice %arg4[%mul3A_82, %dma_start3A_85] : memref<16384x128xf32, #tpu.memory_space<hbm>> -> memref<512x128xf32, #tpu.memory_space<hbm>>
      tpu.enqueue_dma source(%arg6 : memref<512x128xf32, #tpu.memory_space<vmem>>) target(%dma_start3A_86 : memref<512x128xf32, #tpu.memory_space<hbm>>) target_semaphore(%run_scoped3A : memref<!tpu.dma_semaphore, #tpu.memory_space<semaphore_mem>>)
      %dma_wait3A_87 = arith.constant 0 : i32
      %dma_wait3A_88 = tpu.memref_slice %arg4[%mul3A_82, %dma_wait3A_87] : memref<16384x128xf32, #tpu.memory_space<hbm>> -> memref<512x128xf32, #tpu.memory_space<hbm>>
      %dma_wait3A_89 = arith.constant 0 : i32
      %dma_wait3A_90 = tpu.memref_slice %arg4[%mul3A_82, %dma_wait3A_89] : memref<16384x128xf32, #tpu.memory_space<hbm>> -> memref<512x128xf32, #tpu.memory_space<hbm>>
      tpu.wait_dma2 semaphore(%run_scoped3A : memref<!tpu.dma_semaphore, #tpu.memory_space<semaphore_mem>>) src(%arg6 : memref<512x128xf32, #tpu.memory_space<vmem>>) dst(%dma_wait3A_90 : memref<512x128xf32, #tpu.memory_space<hbm>>)
      tpu.yield
    }) : () -> ()
    return
  }
}

#map = affine_map<(d0, d1) -> (0, 0)>
module attributes {stable_mosaic.version = 14 : i64} {
  func.func @k(%arg0: i32, %arg1: i32, %arg2: memref<2560x128xf32, #tpu.memory_space<hbm>>, %arg3: memref<128x128xi32, #tpu.memory_space<hbm>>, %arg4: memref<16384x128xf32, #tpu.memory_space<hbm>>, %arg5: memref<4x128xi32, #tpu.memory_space<vmem>>, %arg6: memref<512x128xf32, #tpu.memory_space<vmem>>, %arg7: memref<!tpu.dma_semaphore, #tpu.memory_space<semaphore_mem>>) attributes {dimension_semantics = [#tpu.dimension_semantics<core_parallel>, #tpu.dimension_semantics<subcore_parallel>], iteration_bounds = array<i64: 2, 16>, scalar_prefetch = 0 : i64, scratch_operands = 3 : i64, tpu.core_type = #tpu.core_type<sc_vector_subcore>, window_params = [{transform_indices = #map}, {transform_indices = #map}, {transform_indices = #map}]} {
    %mul3A = arith.constant 2 : i32
    %mul3A_0 = arith.muli %arg1, %mul3A : i32
    %add3A = arith.addi %mul3A_0, %arg0 : i32
    %mul3A_1 = arith.constant 4 : i32
    %mul3A_2 = arith.muli %add3A, %mul3A_1 : i32
    "tpu.region"() ({
      %run_scoped3A = tpu.sem_alloc : memref<!tpu.dma_semaphore, #tpu.memory_space<semaphore_mem>>
      %dma_start3A_83 = arith.constant 0 : i32
      %dma_start3A_84 = tpu.memref_slice %arg3[%mul3A_2, %dma_start3A_83] : memref<128x128xi32, #tpu.memory_space<hbm>> -> memref<4x128xi32, #tpu.memory_space<hbm>>
      %dma_start3A_85 = arith.constant 0 : i32
      %dma_start3A_86 = tpu.memref_slice %arg3[%mul3A_2, %dma_start3A_85] : memref<128x128xi32, #tpu.memory_space<hbm>> -> memref<4x128xi32, #tpu.memory_space<hbm>>
      tpu.enqueue_dma source(%dma_start3A_86 : memref<4x128xi32, #tpu.memory_space<hbm>>) target(%arg5 : memref<4x128xi32, #tpu.memory_space<vmem>>) target_semaphore(%run_scoped3A : memref<!tpu.dma_semaphore, #tpu.memory_space<semaphore_mem>>)
      %dma_wait3A_87 = arith.constant 0 : i32
      %dma_wait3A_88 = tpu.memref_slice %arg3[%mul3A_2, %dma_wait3A_87] : memref<128x128xi32, #tpu.memory_space<hbm>> -> memref<4x128xi32, #tpu.memory_space<hbm>>
      %dma_wait3A_89 = arith.constant 0 : i32
      %dma_wait3A_90 = tpu.memref_slice %arg3[%mul3A_2, %dma_wait3A_89] : memref<128x128xi32, #tpu.memory_space<hbm>> -> memref<4x128xi32, #tpu.memory_space<hbm>>
      tpu.wait_dma2 semaphore(%run_scoped3A : memref<!tpu.dma_semaphore, #tpu.memory_space<semaphore_mem>>) src(%dma_wait3A_90 : memref<4x128xi32, #tpu.memory_space<hbm>>) dst(%arg5 : memref<4x128xi32, #tpu.memory_space<vmem>>)
      tpu.yield
    }) : () -> ()
    %dma_start3A = arith.constant 0 : i32
    %dma_start3A_3 = arith.constant 0 : i32
    %dma_start3A_4 = arith.constant 0 : i32
    %dma_start3A_5 = tpu.memref_slice %arg6[%dma_start3A_3, %dma_start3A_4] : memref<512x128xf32, #tpu.memory_space<vmem>> -> memref<128x128xf32, #tpu.memory_space<vmem>>
    %dma_start3A_6 = arith.constant 0 : i32
    %dma_start3A_7 = tpu.memref_slice %arg5[%dma_start3A, %dma_start3A_6] : memref<4x128xi32, #tpu.memory_space<vmem>> -> memref<1x128xi32, #tpu.memory_space<vmem>>
    %dma_start3A_8 = tpu.memref_squeeze %dma_start3A_7 : memref<1x128xi32, #tpu.memory_space<vmem>> -> memref<128xi32, #tpu.memory_space<vmem>>
    %dma_start3A_9 = arith.constant 0 : i32
    %dma_start3A_10 = arith.constant 0 : i32
    %dma_start3A_11 = tpu.memref_slice %arg2[%dma_start3A_9, %dma_start3A_10] : memref<2560x128xf32, #tpu.memory_space<hbm>> -> memref<2560x128xf32, #tpu.memory_space<hbm>>
    tpu.enqueue_indirect_dma source(%dma_start3A_11 : memref<2560x128xf32, #tpu.memory_space<hbm>>) target(%dma_start3A_5 : memref<128x128xf32, #tpu.memory_space<vmem>>) offsets(%dma_start3A_8 : memref<128xi32, #tpu.memory_space<vmem>>) semaphore(%arg7 : memref<!tpu.dma_semaphore, #tpu.memory_space<semaphore_mem>>)
    %dma_start3A_12 = arith.constant 1 : i32
    %dma_start3A_13 = arith.constant 128 : i32
    %dma_start3A_14 = arith.constant 0 : i32
    %dma_start3A_15 = tpu.memref_slice %arg6[%dma_start3A_13, %dma_start3A_14] : memref<512x128xf32, #tpu.memory_space<vmem>> -> memref<128x128xf32, #tpu.memory_space<vmem>>
    %dma_start3A_16 = arith.constant 0 : i32
    %dma_start3A_17 = tpu.memref_slice %arg5[%dma_start3A_12, %dma_start3A_16] : memref<4x128xi32, #tpu.memory_space<vmem>> -> memref<1x128xi32, #tpu.memory_space<vmem>>
    %dma_start3A_18 = tpu.memref_squeeze %dma_start3A_17 : memref<1x128xi32, #tpu.memory_space<vmem>> -> memref<128xi32, #tpu.memory_space<vmem>>
    %dma_start3A_19 = arith.constant 0 : i32
    %dma_start3A_20 = arith.constant 0 : i32
    %dma_start3A_21 = tpu.memref_slice %arg2[%dma_start3A_19, %dma_start3A_20] : memref<2560x128xf32, #tpu.memory_space<hbm>> -> memref<2560x128xf32, #tpu.memory_space<hbm>>
    tpu.enqueue_indirect_dma source(%dma_start3A_21 : memref<2560x128xf32, #tpu.memory_space<hbm>>) target(%dma_start3A_15 : memref<128x128xf32, #tpu.memory_space<vmem>>) offsets(%dma_start3A_18 : memref<128xi32, #tpu.memory_space<vmem>>) semaphore(%arg7 : memref<!tpu.dma_semaphore, #tpu.memory_space<semaphore_mem>>)
    %dma_start3A_22 = arith.constant 2 : i32
    %dma_start3A_23 = arith.constant 256 : i32
    %dma_start3A_24 = arith.constant 0 : i32
    %dma_start3A_25 = tpu.memref_slice %arg6[%dma_start3A_23, %dma_start3A_24] : memref<512x128xf32, #tpu.memory_space<vmem>> -> memref<128x128xf32, #tpu.memory_space<vmem>>
    %dma_start3A_26 = arith.constant 0 : i32
    %dma_start3A_27 = tpu.memref_slice %arg5[%dma_start3A_22, %dma_start3A_26] : memref<4x128xi32, #tpu.memory_space<vmem>> -> memref<1x128xi32, #tpu.memory_space<vmem>>
    %dma_start3A_28 = tpu.memref_squeeze %dma_start3A_27 : memref<1x128xi32, #tpu.memory_space<vmem>> -> memref<128xi32, #tpu.memory_space<vmem>>
    %dma_start3A_29 = arith.constant 0 : i32
    %dma_start3A_30 = arith.constant 0 : i32
    %dma_start3A_31 = tpu.memref_slice %arg2[%dma_start3A_29, %dma_start3A_30] : memref<2560x128xf32, #tpu.memory_space<hbm>> -> memref<2560x128xf32, #tpu.memory_space<hbm>>
    tpu.enqueue_indirect_dma source(%dma_start3A_31 : memref<2560x128xf32, #tpu.memory_space<hbm>>) target(%dma_start3A_25 : memref<128x128xf32, #tpu.memory_space<vmem>>) offsets(%dma_start3A_28 : memref<128xi32, #tpu.memory_space<vmem>>) semaphore(%arg7 : memref<!tpu.dma_semaphore, #tpu.memory_space<semaphore_mem>>)
    %dma_start3A_32 = arith.constant 3 : i32
    %dma_start3A_33 = arith.constant 384 : i32
    %dma_start3A_34 = arith.constant 0 : i32
    %dma_start3A_35 = tpu.memref_slice %arg6[%dma_start3A_33, %dma_start3A_34] : memref<512x128xf32, #tpu.memory_space<vmem>> -> memref<128x128xf32, #tpu.memory_space<vmem>>
    %dma_start3A_36 = arith.constant 0 : i32
    %dma_start3A_37 = tpu.memref_slice %arg5[%dma_start3A_32, %dma_start3A_36] : memref<4x128xi32, #tpu.memory_space<vmem>> -> memref<1x128xi32, #tpu.memory_space<vmem>>
    %dma_start3A_38 = tpu.memref_squeeze %dma_start3A_37 : memref<1x128xi32, #tpu.memory_space<vmem>> -> memref<128xi32, #tpu.memory_space<vmem>>
    %dma_start3A_39 = arith.constant 0 : i32
    %dma_start3A_40 = arith.constant 0 : i32
    %dma_start3A_41 = tpu.memref_slice %arg2[%dma_start3A_39, %dma_start3A_40] : memref<2560x128xf32, #tpu.memory_space<hbm>> -> memref<2560x128xf32, #tpu.memory_space<hbm>>
    tpu.enqueue_indirect_dma source(%dma_start3A_41 : memref<2560x128xf32, #tpu.memory_space<hbm>>) target(%dma_start3A_35 : memref<128x128xf32, #tpu.memory_space<vmem>>) offsets(%dma_start3A_38 : memref<128xi32, #tpu.memory_space<vmem>>) semaphore(%arg7 : memref<!tpu.dma_semaphore, #tpu.memory_space<semaphore_mem>>)
    %dma_wait3A = arith.constant 0 : i32
    %dma_wait3A_42 = arith.constant 0 : i32
    %dma_wait3A_43 = arith.constant 0 : i32
    %dma_wait3A_44 = tpu.memref_slice %arg6[%dma_wait3A_42, %dma_wait3A_43] : memref<512x128xf32, #tpu.memory_space<vmem>> -> memref<128x128xf32, #tpu.memory_space<vmem>>
    %dma_wait3A_45 = arith.constant 0 : i32
    %dma_wait3A_46 = tpu.memref_slice %arg5[%dma_wait3A, %dma_wait3A_45] : memref<4x128xi32, #tpu.memory_space<vmem>> -> memref<1x128xi32, #tpu.memory_space<vmem>>
    %dma_wait3A_47 = tpu.memref_squeeze %dma_wait3A_46 : memref<1x128xi32, #tpu.memory_space<vmem>> -> memref<128xi32, #tpu.memory_space<vmem>>
    %dma_wait3A_48 = arith.constant 0 : i32
    %dma_wait3A_49 = arith.constant 0 : i32
    %dma_wait3A_50 = tpu.memref_slice %arg2[%dma_wait3A_48, %dma_wait3A_49] : memref<2560x128xf32, #tpu.memory_space<hbm>> -> memref<2560x128xf32, #tpu.memory_space<hbm>>
    tpu.wait_indirect_dma semaphore(%arg7 : memref<!tpu.dma_semaphore, #tpu.memory_space<semaphore_mem>>) src(%dma_wait3A_50 : memref<2560x128xf32, #tpu.memory_space<hbm>>) dst(%dma_wait3A_44 : memref<128x128xf32, #tpu.memory_space<vmem>>)
    %dma_wait3A_51 = arith.constant 1 : i32
    %dma_wait3A_52 = arith.constant 128 : i32
    %dma_wait3A_53 = arith.constant 0 : i32
    %dma_wait3A_54 = tpu.memref_slice %arg6[%dma_wait3A_52, %dma_wait3A_53] : memref<512x128xf32, #tpu.memory_space<vmem>> -> memref<128x128xf32, #tpu.memory_space<vmem>>
    %dma_wait3A_55 = arith.constant 0 : i32
    %dma_wait3A_56 = tpu.memref_slice %arg5[%dma_wait3A_51, %dma_wait3A_55] : memref<4x128xi32, #tpu.memory_space<vmem>> -> memref<1x128xi32, #tpu.memory_space<vmem>>
    %dma_wait3A_57 = tpu.memref_squeeze %dma_wait3A_56 : memref<1x128xi32, #tpu.memory_space<vmem>> -> memref<128xi32, #tpu.memory_space<vmem>>
    %dma_wait3A_58 = arith.constant 0 : i32
    %dma_wait3A_59 = arith.constant 0 : i32
    %dma_wait3A_60 = tpu.memref_slice %arg2[%dma_wait3A_58, %dma_wait3A_59] : memref<2560x128xf32, #tpu.memory_space<hbm>> -> memref<2560x128xf32, #tpu.memory_space<hbm>>
    tpu.wait_indirect_dma semaphore(%arg7 : memref<!tpu.dma_semaphore, #tpu.memory_space<semaphore_mem>>) src(%dma_wait3A_60 : memref<2560x128xf32, #tpu.memory_space<hbm>>) dst(%dma_wait3A_54 : memref<128x128xf32, #tpu.memory_space<vmem>>)
    %dma_wait3A_61 = arith.constant 2 : i32
    %dma_wait3A_62 = arith.constant 256 : i32
    %dma_wait3A_63 = arith.constant 0 : i32
    %dma_wait3A_64 = tpu.memref_slice %arg6[%dma_wait3A_62, %dma_wait3A_63] : memref<512x128xf32, #tpu.memory_space<vmem>> -> memref<128x128xf32, #tpu.memory_space<vmem>>
    %dma_wait3A_65 = arith.constant 0 : i32
    %dma_wait3A_66 = tpu.memref_slice %arg5[%dma_wait3A_61, %dma_wait3A_65] : memref<4x128xi32, #tpu.memory_space<vmem>> -> memref<1x128xi32, #tpu.memory_space<vmem>>
    %dma_wait3A_67 = tpu.memref_squeeze %dma_wait3A_66 : memref<1x128xi32, #tpu.memory_space<vmem>> -> memref<128xi32, #tpu.memory_space<vmem>>
    %dma_wait3A_68 = arith.constant 0 : i32
    %dma_wait3A_69 = arith.constant 0 : i32
    %dma_wait3A_70 = tpu.memref_slice %arg2[%dma_wait3A_68, %dma_wait3A_69] : memref<2560x128xf32, #tpu.memory_space<hbm>> -> memref<2560x128xf32, #tpu.memory_space<hbm>>
    tpu.wait_indirect_dma semaphore(%arg7 : memref<!tpu.dma_semaphore, #tpu.memory_space<semaphore_mem>>) src(%dma_wait3A_70 : memref<2560x128xf32, #tpu.memory_space<hbm>>) dst(%dma_wait3A_64 : memref<128x128xf32, #tpu.memory_space<vmem>>)
    %dma_wait3A_71 = arith.constant 3 : i32
    %dma_wait3A_72 = arith.constant 384 : i32
    %dma_wait3A_73 = arith.constant 0 : i32
    %dma_wait3A_74 = tpu.memref_slice %arg6[%dma_wait3A_72, %dma_wait3A_73] : memref<512x128xf32, #tpu.memory_space<vmem>> -> memref<128x128xf32, #tpu.memory_space<vmem>>
    %dma_wait3A_75 = arith.constant 0 : i32
    %dma_wait3A_76 = tpu.memref_slice %arg5[%dma_wait3A_71, %dma_wait3A_75] : memref<4x128xi32, #tpu.memory_space<vmem>> -> memref<1x128xi32, #tpu.memory_space<vmem>>
    %dma_wait3A_77 = tpu.memref_squeeze %dma_wait3A_76 : memref<1x128xi32, #tpu.memory_space<vmem>> -> memref<128xi32, #tpu.memory_space<vmem>>
    %dma_wait3A_78 = arith.constant 0 : i32
    %dma_wait3A_79 = arith.constant 0 : i32
    %dma_wait3A_80 = tpu.memref_slice %arg2[%dma_wait3A_78, %dma_wait3A_79] : memref<2560x128xf32, #tpu.memory_space<hbm>> -> memref<2560x128xf32, #tpu.memory_space<hbm>>
    tpu.wait_indirect_dma semaphore(%arg7 : memref<!tpu.dma_semaphore, #tpu.memory_space<semaphore_mem>>) src(%dma_wait3A_80 : memref<2560x128xf32, #tpu.memory_space<hbm>>) dst(%dma_wait3A_74 : memref<128x128xf32, #tpu.memory_space<vmem>>)
    %mul3A_81 = arith.constant 512 : i32
    %mul3A_82 = arith.muli %add3A, %mul3A_81 : i32
    "tpu.region"() ({
      %run_scoped3A = tpu.sem_alloc : memref<!tpu.dma_semaphore, #tpu.memory_space<semaphore_mem>>
      %dma_start3A_83 = arith.constant 0 : i32
      %dma_start3A_84 = tpu.memref_slice %arg4[%mul3A_82, %dma_start3A_83] : memref<16384x128xf32, #tpu.memory_space<hbm>> -> memref<512x128xf32, #tpu.memory_space<hbm>>
      %dma_start3A_85 = arith.constant 0 : i32
      %dma_start3A_86 = tpu.memref_slice %arg4[%mul3A_82, %dma_start3A_85] : memref<16384x128xf32, #tpu.memory_space<hbm>> -> memref<512x128xf32, #tpu.memory_space<hbm>>
      tpu.enqueue_dma source(%arg6 : memref<512x128xf32, #tpu.memory_space<vmem>>) target(%dma_start3A_86 : memref<512x128xf32, #tpu.memory_space<hbm>>) target_semaphore(%run_scoped3A : memref<!tpu.dma_semaphore, #tpu.memory_space<semaphore_mem>>)
      %dma_wait3A_87 = arith.constant 0 : i32
      %dma_wait3A_88 = tpu.memref_slice %arg4[%mul3A_82, %dma_wait3A_87] : memref<16384x128xf32, #tpu.memory_space<hbm>> -> memref<512x128xf32, #tpu.memory_space<hbm>>
      %dma_wait3A_89 = arith.constant 0 : i32
      %dma_wait3A_90 = tpu.memref_slice %arg4[%mul3A_82, %dma_wait3A_89] : memref<16384x128xf32, #tpu.memory_space<hbm>> -> memref<512x128xf32, #tpu.memory_space<hbm>>
      tpu.wait_dma2 semaphore(%run_scoped3A : memref<!tpu.dma_semaphore, #tpu.memory_space<semaphore_mem>>) src(%arg6 : memref<512x128xf32, #tpu.memory_space<vmem>>) dst(%dma_wait3A_90 : memref<512x128xf32, #tpu.memory_space<hbm>>)
      tpu.yield
    }) : () -> ()
    return
  }
}

module attributes {stable_mosaic.version = 14 : i64} {
  func.func @_enc_vq0_body(%arg0: i32, %arg1: memref<2048x768xf32, #tpu.memory_space<vmem>>, %arg2: memref<2048x1xi32, #tpu.memory_space<vmem>>, %arg3: memref<768x512xf32, #tpu.memory_space<vmem>>, %arg4: memref<1x512xf32, #tpu.memory_space<vmem>>, %arg5: memref<512x256xf32, #tpu.memory_space<vmem>>, %arg6: memref<1x256xf32, #tpu.memory_space<vmem>>, %arg7: memref<256x64xf32, #tpu.memory_space<vmem>>, %arg8: memref<1x64xf32, #tpu.memory_space<vmem>>, %arg9: memref<2560x64xf32, #tpu.memory_space<vmem>>, %arg10: memref<1x2560xf32, #tpu.memory_space<vmem>>, %arg11: memref<2048x64xf32, #tpu.memory_space<vmem>>, %arg12: memref<2048x1xi32, #tpu.memory_space<vmem>>) attributes {dimension_semantics = [#tpu.dimension_semantics<arbitrary>], iteration_bounds = array<i64: 8>, scalar_prefetch = 0 : i64, scratch_operands = 0 : i64, tpu.core_type = #tpu.core_type<tc>, window_params = [{transform_indices = @transform_0, window_bounds = array<i64: 2048, 768>}, {transform_indices = @transform_1, window_bounds = array<i64: 2048, 1>}, {pipeline_mode = #tpu.pipeline_mode<synchronous>, transform_indices = @transform_2, window_bounds = array<i64: 768, 512>}, {pipeline_mode = #tpu.pipeline_mode<synchronous>, transform_indices = @transform_3, window_bounds = array<i64: 1, 512>}, {pipeline_mode = #tpu.pipeline_mode<synchronous>, transform_indices = @transform_4, window_bounds = array<i64: 512, 256>}, {pipeline_mode = #tpu.pipeline_mode<synchronous>, transform_indices = @transform_5, window_bounds = array<i64: 1, 256>}, {pipeline_mode = #tpu.pipeline_mode<synchronous>, transform_indices = @transform_6, window_bounds = array<i64: 256, 64>}, {pipeline_mode = #tpu.pipeline_mode<synchronous>, transform_indices = @transform_7, window_bounds = array<i64: 1, 64>}, {pipeline_mode = #tpu.pipeline_mode<synchronous>, transform_indices = @transform_8, window_bounds = array<i64: 2560, 64>}, {pipeline_mode = #tpu.pipeline_mode<synchronous>, transform_indices = @transform_9, window_bounds = array<i64: 1, 2560>}, {transform_indices = @transform_10, window_bounds = array<i64: 2048, 64>}, {transform_indices = @transform_11, window_bounds = array<i64: 2048, 1>}]} {
    %get3A = arith.constant 0 : index
    %get3A_0 = arith.constant 0 : index
    %get3A_1 = vector.load %arg1[%get3A, %get3A_0] : memref<2048x768xf32, #tpu.memory_space<vmem>>, vector<2048x768xf32>
    %get3A_2 = arith.constant 0 : index
    %get3A_3 = arith.constant 0 : index
    %get3A_4 = vector.load %arg3[%get3A_2, %get3A_3] : memref<768x512xf32, #tpu.memory_space<vmem>>, vector<768x512xf32>
    %dot_general3A = arith.constant dense<0.000000e+00> : vector<2048x512xf32>
    %dot_general3A_5 = tpu.matmul %get3A_1, %get3A_4, %dot_general3A {dimension_numbers = #tpu.dot_dimension_numbers<[1], [0], [0], [1], [0, 0, 1, 1], [], []>, transpose_lhs_hint = false} : vector<2048x768xf32>, vector<768x512xf32>, vector<2048x512xf32> -> vector<2048x512xf32>
    %get3A_6 = arith.constant 0 : index
    %get3A_7 = arith.constant 0 : index
    %get3A_8 = vector.load %arg4[%get3A_6, %get3A_7] : memref<1x512xf32, #tpu.memory_space<vmem>>, vector<1x512xf32>
    %add3A = vector.broadcast %get3A_8 : vector<1x512xf32> to vector<2048x512xf32>
    %add3A_9 = arith.addf %dot_general3A_5, %add3A : vector<2048x512xf32>
    %max3A = arith.constant 0.000000e+00 : f32
    %max3A_10 = vector.broadcast %max3A : f32 to vector<2048x512xf32>
    %max3A_11 = arith.maximumf %add3A_9, %max3A_10 : vector<2048x512xf32>
    %get3A_12 = arith.constant 0 : index
    %get3A_13 = arith.constant 0 : index
    %get3A_14 = vector.load %arg5[%get3A_12, %get3A_13] : memref<512x256xf32, #tpu.memory_space<vmem>>, vector<512x256xf32>
    %dot_general3A_15 = arith.constant dense<0.000000e+00> : vector<2048x256xf32>
    %dot_general3A_16 = tpu.matmul %max3A_11, %get3A_14, %dot_general3A_15 {dimension_numbers = #tpu.dot_dimension_numbers<[1], [0], [0], [1], [0, 0, 1, 1], [], []>, transpose_lhs_hint = false} : vector<2048x512xf32>, vector<512x256xf32>, vector<2048x256xf32> -> vector<2048x256xf32>
    %get3A_17 = arith.constant 0 : index
    %get3A_18 = arith.constant 0 : index
    %get3A_19 = vector.load %arg6[%get3A_17, %get3A_18] : memref<1x256xf32, #tpu.memory_space<vmem>>, vector<1x256xf32>
    %add3A_20 = vector.broadcast %get3A_19 : vector<1x256xf32> to vector<2048x256xf32>
    %add3A_21 = arith.addf %dot_general3A_16, %add3A_20 : vector<2048x256xf32>
    %max3A_22 = arith.constant 0.000000e+00 : f32
    %max3A_23 = vector.broadcast %max3A_22 : f32 to vector<2048x256xf32>
    %max3A_24 = arith.maximumf %add3A_21, %max3A_23 : vector<2048x256xf32>
    %get3A_25 = arith.constant 0 : index
    %get3A_26 = arith.constant 0 : index
    %get3A_27 = vector.load %arg7[%get3A_25, %get3A_26] : memref<256x64xf32, #tpu.memory_space<vmem>>, vector<256x64xf32>
    %dot_general3A_28 = arith.constant dense<0.000000e+00> : vector<2048x64xf32>
    %dot_general3A_29 = tpu.matmul %max3A_24, %get3A_27, %dot_general3A_28 {dimension_numbers = #tpu.dot_dimension_numbers<[1], [0], [0], [1], [0, 0, 1, 1], [], []>, transpose_lhs_hint = false} : vector<2048x256xf32>, vector<256x64xf32>, vector<2048x64xf32> -> vector<2048x64xf32>
    %get3A_30 = arith.constant 0 : index
    %get3A_31 = arith.constant 0 : index
    %get3A_32 = vector.load %arg8[%get3A_30, %get3A_31] : memref<1x64xf32, #tpu.memory_space<vmem>>, vector<1x64xf32>
    %add3A_33 = vector.broadcast %get3A_32 : vector<1x64xf32> to vector<2048x64xf32>
    %add3A_34 = arith.addf %dot_general3A_29, %add3A_33 : vector<2048x64xf32>
    %swap3A = arith.constant 0 : index
    %swap3A_35 = arith.constant 0 : index
    %swap3A_36 = vector.load %arg11[%swap3A, %swap3A_35] : memref<2048x64xf32, #tpu.memory_space<vmem>>, vector<2048x64xf32>
    tpu.vector_store %arg11[%swap3A, %swap3A_35], %add3A_34 {strides = array<i32>} : memref<2048x64xf32, #tpu.memory_space<vmem>>, vector<2048x64xf32>,
    %get3A_37 = arith.constant 0 : index
    %get3A_38 = arith.constant 0 : index
    %get3A_39 = vector.load %arg9[%get3A_37, %get3A_38] : memref<2560x64xf32, #tpu.memory_space<vmem>>, vector<2560x64xf32>
    %get3A_40 = arith.constant 0 : index
    %get3A_41 = arith.constant 0 : index
    %get3A_42 = vector.load %arg10[%get3A_40, %get3A_41] : memref<1x2560xf32, #tpu.memory_space<vmem>>, vector<1x2560xf32>
    %get3A_43 = arith.constant 0 : index
    %get3A_44 = arith.constant 0 : index
    %get3A_45 = vector.load %arg2[%get3A_43, %get3A_44] : memref<2048x1xi32, #tpu.memory_space<vmem>>, vector<2048x1xi32>
    %mul3A = arith.mulf %add3A_34, %add3A_34 : vector<2048x64xf32>
    %reduce_sum3A = arith.constant dense<0.000000e+00> : vector<2048xf32>
    %reduce_sum3A_46 = vector.multi_reduction <add>, %mul3A, %reduce_sum3A [1] : vector<2048x64xf32> to vector<2048xf32>
    %broadcast_in_dim3A = vector.shape_cast %reduce_sum3A_46 : vector<2048xf32> to vector<2048x1xf32>
    %transpose3A = tpu.transpose %get3A_39, [1, 0] : vector<2560x64xf32> -> vector<64x2560xf32>
    %dot_general3A_47 = arith.constant dense<0.000000e+00> : vector<2048x2560xf32>
    %dot_general3A_48 = tpu.matmul %add3A_34, %transpose3A, %dot_general3A_47 {dimension_numbers = #tpu.dot_dimension_numbers<[1], [0], [0], [1], [0, 0, 1, 1], [], []>, transpose_lhs_hint = false} : vector<2048x64xf32>, vector<64x2560xf32>, vector<2048x2560xf32> -> vector<2048x2560xf32>
    %mul3A_49 = arith.constant 2.000000e+00 : f32
    %mul3A_50 = vector.broadcast %mul3A_49 : f32 to vector<2048x2560xf32>
    %mul3A_51 = arith.mulf %mul3A_50, %dot_general3A_48 : vector<2048x2560xf32>
    %sub3A = vector.broadcast %broadcast_in_dim3A : vector<2048x1xf32> to vector<2048x2560xf32>
    %sub3A_52 = arith.subf %sub3A, %mul3A_51 : vector<2048x2560xf32>
    %add3A_53 = vector.broadcast %get3A_42 : vector<1x2560xf32> to vector<2048x2560xf32>
    %add3A_54 = arith.addf %sub3A_52, %add3A_53 : vector<2048x2560xf32>
    %iota3A = tpu.iota {dimensions = array<i32: 1>} : vector<1x2560xi32>
    %jit3A = arith.constant 256 : i32
    %div3A = vector.broadcast %jit3A : i32 to vector<1x2560xi32>
    %div3A_55 = arith.divsi %iota3A, %div3A : vector<1x2560xi32>
    %sign3A = arith.constant 0 : i32
    %sign3A_56 = vector.broadcast %sign3A : i32 to vector<1x2560xi32>
    %sign3A_57 = arith.cmpi sgt, %iota3A, %sign3A_56 : vector<1x2560xi32>
    %sign3A_58 = arith.extui %sign3A_57 : vector<1x2560xi1> to vector<1x2560xi32>
    %sign3A_59 = arith.constant 0 : i32
    %sign3A_60 = vector.broadcast %sign3A_59 : i32 to vector<1x2560xi32>
    %sign3A_61 = arith.cmpi slt, %iota3A, %sign3A_60 : vector<1x2560xi32>
    %sign3A_62 = arith.extui %sign3A_61 : vector<1x2560xi1> to vector<1x2560xi32>
    %sign3A_63 = arith.subi %sign3A_58, %sign3A_62 : vector<1x2560xi32>
    %sign3A_64 = arith.constant 0 : i32
    %sign3A_65 = arith.cmpi sgt, %jit3A, %sign3A_64 : i32
    %sign3A_66 = arith.extui %sign3A_65 : i1 to i32
    %sign3A_67 = arith.constant 0 : i32
    %sign3A_68 = arith.cmpi slt, %jit3A, %sign3A_67 : i32
    %sign3A_69 = arith.extui %sign3A_68 : i1 to i32
    %sign3A_70 = arith.subi %sign3A_66, %sign3A_69 : i32
    %ne3A = vector.broadcast %sign3A_70 : i32 to vector<1x2560xi32>
    %ne3A_71 = arith.cmpi ne, %sign3A_63, %ne3A : vector<1x2560xi32>
    %rem3A = vector.broadcast %jit3A : i32 to vector<1x2560xi32>
    %rem3A_72 = arith.remsi %iota3A, %rem3A : vector<1x2560xi32>
    %ne3A_73 = arith.constant 0 : i32
    %ne3A_74 = vector.broadcast %ne3A_73 : i32 to vector<1x2560xi32>
    %ne3A_75 = arith.cmpi ne, %rem3A_72, %ne3A_74 : vector<1x2560xi32>
    %and3A = arith.andi %ne3A_71, %ne3A_75 : vector<1x2560xi1>
    %sub3A_76 = arith.constant 1 : i32
    %sub3A_77 = vector.broadcast %sub3A_76 : i32 to vector<1x2560xi32>
    %sub3A_78 = arith.subi %div3A_55, %sub3A_77 : vector<1x2560xi32>
    %select_n3A = arith.select %and3A, %sub3A_78, %div3A_55 : vector<1x2560xi1>, vector<1x2560xi32>
    %eq3A = vector.broadcast %select_n3A : vector<1x2560xi32> to vector<2048x2560xi32>
    %eq3A_79 = vector.broadcast %get3A_45 : vector<2048x1xi32> to vector<2048x2560xi32>
    %eq3A_80 = arith.cmpi eq, %eq3A, %eq3A_79 : vector<2048x2560xi32>
    %jit3A_81 = arith.constant 1.000000e+30 : f32
    %broadcast_in_dim3A_82 = vector.broadcast %jit3A_81 : f32 to vector<2048x2560xf32>
    %select_n3A_83 = arith.select %eq3A_80, %add3A_54, %broadcast_in_dim3A_82 : vector<2048x2560xi1>, vector<2048x2560xf32>
    %argmin3A = tpu.reduce_index %select_n3A_83 {axis = 1 : i32, kind = #tpu.reduction_kind<arg_min>} : vector<2048x2560xf32> -> vector<2048xi32>
    %broadcast_in_dim3A_84 = vector.shape_cast %argmin3A : vector<2048xi32> to vector<2048x1xi32>
    %swap3A_85 = arith.constant 0 : index
    %swap3A_86 = arith.constant 0 : index
    %swap3A_87 = vector.load %arg12[%swap3A_85, %swap3A_86] : memref<2048x1xi32, #tpu.memory_space<vmem>>, vector<2048x1xi32>
    tpu.vector_store %arg12[%swap3A_85, %swap3A_86], %broadcast_in_dim3A_84 {strides = array<i32>} : memref<2048x1xi32, #tpu.memory_space<vmem>>, vector<2048x1xi32>,
    return
  }
  func.func @transform_0(%arg0: i32) -> (i32, i32) {
    %c0_i32 = arith.constant 0 : i32
    %c0_i32_0 = arith.constant 0 : i32
    return %arg0, %c0_i32 : i32, i32
  }
  func.func @transform_1(%arg0: i32) -> (i32, i32) {
    %c0_i32 = arith.constant 0 : i32
    %c0_i32_0 = arith.constant 0 : i32
    return %arg0, %c0_i32 : i32, i32
  }
  func.func @transform_2(%arg0: i32) -> (i32, i32) {
    %c0_i32 = arith.constant 0 : i32
    %c0_i32_0 = arith.constant 0 : i32
    %c0_i32_1 = arith.constant 0 : i32
    return %c0_i32, %c0_i32_0 : i32, i32
  }
  func.func @transform_3(%arg0: i32) -> (i32, i32) {
    %c0_i32 = arith.constant 0 : i32
    %c0_i32_0 = arith.constant 0 : i32
    %c0_i32_1 = arith.constant 0 : i32
    return %c0_i32, %c0_i32_0 : i32, i32
  }
  func.func @transform_4(%arg0: i32) -> (i32, i32) {
    %c0_i32 = arith.constant 0 : i32
    %c0_i32_0 = arith.constant 0 : i32
    %c0_i32_1 = arith.constant 0 : i32
    return %c0_i32, %c0_i32_0 : i32, i32
  }
  func.func @transform_5(%arg0: i32) -> (i32, i32) {
    %c0_i32 = arith.constant 0 : i32
    %c0_i32_0 = arith.constant 0 : i32
    %c0_i32_1 = arith.constant 0 : i32
    return %c0_i32, %c0_i32_0 : i32, i32
  }
  func.func @transform_6(%arg0: i32) -> (i32, i32) {
    %c0_i32 = arith.constant 0 : i32
    %c0_i32_0 = arith.constant 0 : i32
    %c0_i32_1 = arith.constant 0 : i32
    return %c0_i32, %c0_i32_0 : i32, i32
  }
  func.func @transform_7(%arg0: i32) -> (i32, i32) {
    %c0_i32 = arith.constant 0 : i32
    %c0_i32_0 = arith.constant 0 : i32
    %c0_i32_1 = arith.constant 0 : i32
    return %c0_i32, %c0_i32_0 : i32, i32
  }
  func.func @transform_8(%arg0: i32) -> (i32, i32) {
    %c0_i32 = arith.constant 0 : i32
    %c0_i32_0 = arith.constant 0 : i32
    %c0_i32_1 = arith.constant 0 : i32
    return %c0_i32, %c0_i32_0 : i32, i32
  }
  func.func @transform_9(%arg0: i32) -> (i32, i32) {
    %c0_i32 = arith.constant 0 : i32
    %c0_i32_0 = arith.constant 0 : i32
    %c0_i32_1 = arith.constant 0 : i32
    return %c0_i32, %c0_i32_0 : i32, i32
  }
  func.func @transform_10(%arg0: i32) -> (i32, i32) {
    %c0_i32 = arith.constant 0 : i32
    %c0_i32_0 = arith.constant 0 : i32
    return %arg0, %c0_i32 : i32, i32
  }
  func.func @transform_11(%arg0: i32) -> (i32, i32) {
    %c0_i32 = arith.constant 0 : i32
    %c0_i32_0 = arith.constant 0 : i32
    return %arg0, %c0_i32 : i32, i32
  }
}

module attributes {stable_mosaic.version = 14 : i64} {
  func.func @_vq_body(%arg0: i32, %arg1: memref<2048x64xf32, #tpu.memory_space<vmem>>, %arg2: memref<2048x1xi32, #tpu.memory_space<vmem>>, %arg3: memref<1x2560xf32, #tpu.memory_space<vmem>>, %arg4: memref<2560x64xf32, #tpu.memory_space<vmem>>, %arg5: memref<2048x128xf32, #tpu.memory_space<vmem>>, %arg6: memref<2048x1xi32, #tpu.memory_space<vmem>>) attributes {dimension_semantics = [#tpu.dimension_semantics<arbitrary>], iteration_bounds = array<i64: 8>, scalar_prefetch = 0 : i64, scratch_operands = 0 : i64, tpu.core_type = #tpu.core_type<tc>, window_params = [{transform_indices = @transform_0, window_bounds = array<i64: 2048, 64>}, {transform_indices = @transform_1, window_bounds = array<i64: 2048, 1>}, {pipeline_mode = #tpu.pipeline_mode<synchronous>, transform_indices = @transform_2, window_bounds = array<i64: 1, 2560>}, {pipeline_mode = #tpu.pipeline_mode<synchronous>, transform_indices = @transform_3, window_bounds = array<i64: 2560, 64>}, {transform_indices = @transform_4, window_bounds = array<i64: 2048, 128>}, {transform_indices = @transform_5, window_bounds = array<i64: 2048, 1>}]} {
    %get3A = arith.constant 0 : index
    %get3A_0 = arith.constant 0 : index
    %get3A_1 = vector.load %arg1[%get3A, %get3A_0] : memref<2048x64xf32, #tpu.memory_space<vmem>>, vector<2048x64xf32>
    %get3A_2 = arith.constant 0 : index
    %get3A_3 = arith.constant 0 : index
    %get3A_4 = vector.load %arg5[%get3A_2, %get3A_3] : memref<2048x128xf32, #tpu.memory_space<vmem>>, vector<2048x128xf32>
    %slice3A = vector.extract_strided_slice %get3A_4 {offsets = [0, 0], sizes = [2048, 64], strides = [1, 1]} : vector<2048x128xf32> to vector<2048x64xf32>
    %sub3A = arith.subf %slice3A, %get3A_1 : vector<2048x64xf32>
    %add3A = arith.addf %get3A_1, %sub3A : vector<2048x64xf32>
    %sub3A_5 = arith.subf %get3A_1, %add3A : vector<2048x64xf32>
    %get3A_6 = arith.constant 0 : index
    %get3A_7 = arith.constant 0 : index
    %get3A_8 = vector.load %arg4[%get3A_6, %get3A_7] : memref<2560x64xf32, #tpu.memory_space<vmem>>, vector<2560x64xf32>
    %get3A_9 = arith.constant 0 : index
    %get3A_10 = arith.constant 0 : index
    %get3A_11 = vector.load %arg3[%get3A_9, %get3A_10] : memref<1x2560xf32, #tpu.memory_space<vmem>>, vector<1x2560xf32>
    %get3A_12 = arith.constant 0 : index
    %get3A_13 = arith.constant 0 : index
    %get3A_14 = vector.load %arg2[%get3A_12, %get3A_13] : memref<2048x1xi32, #tpu.memory_space<vmem>>, vector<2048x1xi32>
    %mul3A = arith.mulf %sub3A_5, %sub3A_5 : vector<2048x64xf32>
    %reduce_sum3A = arith.constant dense<0.000000e+00> : vector<2048xf32>
    %reduce_sum3A_15 = vector.multi_reduction <add>, %mul3A, %reduce_sum3A [1] : vector<2048x64xf32> to vector<2048xf32>
    %broadcast_in_dim3A = vector.shape_cast %reduce_sum3A_15 : vector<2048xf32> to vector<2048x1xf32>
    %transpose3A = tpu.transpose %get3A_8, [1, 0] : vector<2560x64xf32> -> vector<64x2560xf32>
    %dot_general3A = arith.constant dense<0.000000e+00> : vector<2048x2560xf32>
    %dot_general3A_16 = tpu.matmul %sub3A_5, %transpose3A, %dot_general3A {dimension_numbers = #tpu.dot_dimension_numbers<[1], [0], [0], [1], [0, 0, 1, 1], [], []>, transpose_lhs_hint = false} : vector<2048x64xf32>, vector<64x2560xf32>, vector<2048x2560xf32> -> vector<2048x2560xf32>
    %mul3A_17 = arith.constant 2.000000e+00 : f32
    %mul3A_18 = vector.broadcast %mul3A_17 : f32 to vector<2048x2560xf32>
    %mul3A_19 = arith.mulf %mul3A_18, %dot_general3A_16 : vector<2048x2560xf32>
    %sub3A_20 = vector.broadcast %broadcast_in_dim3A : vector<2048x1xf32> to vector<2048x2560xf32>
    %sub3A_21 = arith.subf %sub3A_20, %mul3A_19 : vector<2048x2560xf32>
    %add3A_22 = vector.broadcast %get3A_11 : vector<1x2560xf32> to vector<2048x2560xf32>
    %add3A_23 = arith.addf %sub3A_21, %add3A_22 : vector<2048x2560xf32>
    %iota3A = tpu.iota {dimensions = array<i32: 1>} : vector<1x2560xi32>
    %jit3A = arith.constant 256 : i32
    %div3A = vector.broadcast %jit3A : i32 to vector<1x2560xi32>
    %div3A_24 = arith.divsi %iota3A, %div3A : vector<1x2560xi32>
    %sign3A = arith.constant 0 : i32
    %sign3A_25 = vector.broadcast %sign3A : i32 to vector<1x2560xi32>
    %sign3A_26 = arith.cmpi sgt, %iota3A, %sign3A_25 : vector<1x2560xi32>
    %sign3A_27 = arith.extui %sign3A_26 : vector<1x2560xi1> to vector<1x2560xi32>
    %sign3A_28 = arith.constant 0 : i32
    %sign3A_29 = vector.broadcast %sign3A_28 : i32 to vector<1x2560xi32>
    %sign3A_30 = arith.cmpi slt, %iota3A, %sign3A_29 : vector<1x2560xi32>
    %sign3A_31 = arith.extui %sign3A_30 : vector<1x2560xi1> to vector<1x2560xi32>
    %sign3A_32 = arith.subi %sign3A_27, %sign3A_31 : vector<1x2560xi32>
    %sign3A_33 = arith.constant 0 : i32
    %sign3A_34 = arith.cmpi sgt, %jit3A, %sign3A_33 : i32
    %sign3A_35 = arith.extui %sign3A_34 : i1 to i32
    %sign3A_36 = arith.constant 0 : i32
    %sign3A_37 = arith.cmpi slt, %jit3A, %sign3A_36 : i32
    %sign3A_38 = arith.extui %sign3A_37 : i1 to i32
    %sign3A_39 = arith.subi %sign3A_35, %sign3A_38 : i32
    %ne3A = vector.broadcast %sign3A_39 : i32 to vector<1x2560xi32>
    %ne3A_40 = arith.cmpi ne, %sign3A_32, %ne3A : vector<1x2560xi32>
    %rem3A = vector.broadcast %jit3A : i32 to vector<1x2560xi32>
    %rem3A_41 = arith.remsi %iota3A, %rem3A : vector<1x2560xi32>
    %ne3A_42 = arith.constant 0 : i32
    %ne3A_43 = vector.broadcast %ne3A_42 : i32 to vector<1x2560xi32>
    %ne3A_44 = arith.cmpi ne, %rem3A_41, %ne3A_43 : vector<1x2560xi32>
    %and3A = arith.andi %ne3A_40, %ne3A_44 : vector<1x2560xi1>
    %sub3A_45 = arith.constant 1 : i32
    %sub3A_46 = vector.broadcast %sub3A_45 : i32 to vector<1x2560xi32>
    %sub3A_47 = arith.subi %div3A_24, %sub3A_46 : vector<1x2560xi32>
    %select_n3A = arith.select %and3A, %sub3A_47, %div3A_24 : vector<1x2560xi1>, vector<1x2560xi32>
    %eq3A = vector.broadcast %select_n3A : vector<1x2560xi32> to vector<2048x2560xi32>
    %eq3A_48 = vector.broadcast %get3A_14 : vector<2048x1xi32> to vector<2048x2560xi32>
    %eq3A_49 = arith.cmpi eq, %eq3A, %eq3A_48 : vector<2048x2560xi32>
    %jit3A_50 = arith.constant 1.000000e+30 : f32
    %broadcast_in_dim3A_51 = vector.broadcast %jit3A_50 : f32 to vector<2048x2560xf32>
    %select_n3A_52 = arith.select %eq3A_49, %add3A_23, %broadcast_in_dim3A_51 : vector<2048x2560xi1>, vector<2048x2560xf32>
    %argmin3A = tpu.reduce_index %select_n3A_52 {axis = 1 : i32, kind = #tpu.reduction_kind<arg_min>} : vector<2048x2560xf32> -> vector<2048xi32>
    %broadcast_in_dim3A_53 = vector.shape_cast %argmin3A : vector<2048xi32> to vector<2048x1xi32>
    %swap3A = arith.constant 0 : index
    %swap3A_54 = arith.constant 0 : index
    %swap3A_55 = vector.load %arg6[%swap3A, %swap3A_54] : memref<2048x1xi32, #tpu.memory_space<vmem>>, vector<2048x1xi32>
    tpu.vector_store %arg6[%swap3A, %swap3A_54], %broadcast_in_dim3A_53 {strides = array<i32>} : memref<2048x1xi32, #tpu.memory_space<vmem>>, vector<2048x1xi32>,
    return
  }
  func.func @transform_0(%arg0: i32) -> (i32, i32) {
    %c0_i32 = arith.constant 0 : i32
    %c0_i32_0 = arith.constant 0 : i32
    return %arg0, %c0_i32 : i32, i32
  }
  func.func @transform_1(%arg0: i32) -> (i32, i32) {
    %c0_i32 = arith.constant 0 : i32
    %c0_i32_0 = arith.constant 0 : i32
    return %arg0, %c0_i32 : i32, i32
  }
  func.func @transform_2(%arg0: i32) -> (i32, i32) {
    %c0_i32 = arith.constant 0 : i32
    %c0_i32_0 = arith.constant 0 : i32
    %c0_i32_1 = arith.constant 0 : i32
    return %c0_i32, %c0_i32_0 : i32, i32
  }
  func.func @transform_3(%arg0: i32) -> (i32, i32) {
    %c0_i32 = arith.constant 0 : i32
    %c0_i32_0 = arith.constant 0 : i32
    %c0_i32_1 = arith.constant 0 : i32
    return %c0_i32, %c0_i32_0 : i32, i32
  }
  func.func @transform_4(%arg0: i32) -> (i32, i32) {
    %c0_i32 = arith.constant 0 : i32
    %c0_i32_0 = arith.constant 0 : i32
    return %arg0, %c0_i32 : i32, i32
  }
  func.func @transform_5(%arg0: i32) -> (i32, i32) {
    %c0_i32 = arith.constant 0 : i32
    %c0_i32_0 = arith.constant 0 : i32
    return %arg0, %c0_i32 : i32, i32
  }
}

module attributes {stable_mosaic.version = 14 : i64} {
  func.func @_vq_body(%arg0: i32, %arg1: memref<2048x64xf32, #tpu.memory_space<vmem>>, %arg2: memref<2048x1xi32, #tpu.memory_space<vmem>>, %arg3: memref<1x2560xf32, #tpu.memory_space<vmem>>, %arg4: memref<2560x64xf32, #tpu.memory_space<vmem>>, %arg5: memref<2048x128xf32, #tpu.memory_space<vmem>>, %arg6: memref<2048x128xf32, #tpu.memory_space<vmem>>, %arg7: memref<2048x1xi32, #tpu.memory_space<vmem>>) attributes {dimension_semantics = [#tpu.dimension_semantics<arbitrary>], iteration_bounds = array<i64: 8>, scalar_prefetch = 0 : i64, scratch_operands = 0 : i64, tpu.core_type = #tpu.core_type<tc>, window_params = [{transform_indices = @transform_0, window_bounds = array<i64: 2048, 64>}, {transform_indices = @transform_1, window_bounds = array<i64: 2048, 1>}, {pipeline_mode = #tpu.pipeline_mode<synchronous>, transform_indices = @transform_2, window_bounds = array<i64: 1, 2560>}, {pipeline_mode = #tpu.pipeline_mode<synchronous>, transform_indices = @transform_3, window_bounds = array<i64: 2560, 64>}, {transform_indices = @transform_4, window_bounds = array<i64: 2048, 128>}, {transform_indices = @transform_5, window_bounds = array<i64: 2048, 128>}, {transform_indices = @transform_6, window_bounds = array<i64: 2048, 1>}]} {
    %get3A = arith.constant 0 : index
    %get3A_0 = arith.constant 0 : index
    %get3A_1 = vector.load %arg1[%get3A, %get3A_0] : memref<2048x64xf32, #tpu.memory_space<vmem>>, vector<2048x64xf32>
    %get3A_2 = arith.constant 0 : index
    %get3A_3 = arith.constant 0 : index
    %get3A_4 = vector.load %arg5[%get3A_2, %get3A_3] : memref<2048x128xf32, #tpu.memory_space<vmem>>, vector<2048x128xf32>
    %slice3A = vector.extract_strided_slice %get3A_4 {offsets = [0, 0], sizes = [2048, 64], strides = [1, 1]} : vector<2048x128xf32> to vector<2048x64xf32>
    %sub3A = arith.subf %slice3A, %get3A_1 : vector<2048x64xf32>
    %add3A = arith.addf %get3A_1, %sub3A : vector<2048x64xf32>
    %sub3A_5 = arith.subf %get3A_1, %add3A : vector<2048x64xf32>
    %get3A_6 = arith.constant 0 : index
    %get3A_7 = arith.constant 0 : index
    %get3A_8 = vector.load %arg6[%get3A_6, %get3A_7] : memref<2048x128xf32, #tpu.memory_space<vmem>>, vector<2048x128xf32>
    %slice3A_9 = vector.extract_strided_slice %get3A_8 {offsets = [0, 0], sizes = [2048, 64], strides = [1, 1]} : vector<2048x128xf32> to vector<2048x64xf32>
    %sub3A_10 = arith.subf %slice3A_9, %sub3A_5 : vector<2048x64xf32>
    %add3A_11 = arith.addf %sub3A_5, %sub3A_10 : vector<2048x64xf32>
    %sub3A_12 = arith.subf %sub3A_5, %add3A_11 : vector<2048x64xf32>
    %get3A_13 = arith.constant 0 : index
    %get3A_14 = arith.constant 0 : index
    %get3A_15 = vector.load %arg4[%get3A_13, %get3A_14] : memref<2560x64xf32, #tpu.memory_space<vmem>>, vector<2560x64xf32>
    %get3A_16 = arith.constant 0 : index
    %get3A_17 = arith.constant 0 : index
    %get3A_18 = vector.load %arg3[%get3A_16, %get3A_17] : memref<1x2560xf32, #tpu.memory_space<vmem>>, vector<1x2560xf32>
    %get3A_19 = arith.constant 0 : index
    %get3A_20 = arith.constant 0 : index
    %get3A_21 = vector.load %arg2[%get3A_19, %get3A_20] : memref<2048x1xi32, #tpu.memory_space<vmem>>, vector<2048x1xi32>
    %mul3A = arith.mulf %sub3A_12, %sub3A_12 : vector<2048x64xf32>
    %reduce_sum3A = arith.constant dense<0.000000e+00> : vector<2048xf32>
    %reduce_sum3A_22 = vector.multi_reduction <add>, %mul3A, %reduce_sum3A [1] : vector<2048x64xf32> to vector<2048xf32>
    %broadcast_in_dim3A = vector.shape_cast %reduce_sum3A_22 : vector<2048xf32> to vector<2048x1xf32>
    %transpose3A = tpu.transpose %get3A_15, [1, 0] : vector<2560x64xf32> -> vector<64x2560xf32>
    %dot_general3A = arith.constant dense<0.000000e+00> : vector<2048x2560xf32>
    %dot_general3A_23 = tpu.matmul %sub3A_12, %transpose3A, %dot_general3A {dimension_numbers = #tpu.dot_dimension_numbers<[1], [0], [0], [1], [0, 0, 1, 1], [], []>, transpose_lhs_hint = false} : vector<2048x64xf32>, vector<64x2560xf32>, vector<2048x2560xf32> -> vector<2048x2560xf32>
    %mul3A_24 = arith.constant 2.000000e+00 : f32
    %mul3A_25 = vector.broadcast %mul3A_24 : f32 to vector<2048x2560xf32>
    %mul3A_26 = arith.mulf %mul3A_25, %dot_general3A_23 : vector<2048x2560xf32>
    %sub3A_27 = vector.broadcast %broadcast_in_dim3A : vector<2048x1xf32> to vector<2048x2560xf32>
    %sub3A_28 = arith.subf %sub3A_27, %mul3A_26 : vector<2048x2560xf32>
    %add3A_29 = vector.broadcast %get3A_18 : vector<1x2560xf32> to vector<2048x2560xf32>
    %add3A_30 = arith.addf %sub3A_28, %add3A_29 : vector<2048x2560xf32>
    %iota3A = tpu.iota {dimensions = array<i32: 1>} : vector<1x2560xi32>
    %jit3A = arith.constant 256 : i32
    %div3A = vector.broadcast %jit3A : i32 to vector<1x2560xi32>
    %div3A_31 = arith.divsi %iota3A, %div3A : vector<1x2560xi32>
    %sign3A = arith.constant 0 : i32
    %sign3A_32 = vector.broadcast %sign3A : i32 to vector<1x2560xi32>
    %sign3A_33 = arith.cmpi sgt, %iota3A, %sign3A_32 : vector<1x2560xi32>
    %sign3A_34 = arith.extui %sign3A_33 : vector<1x2560xi1> to vector<1x2560xi32>
    %sign3A_35 = arith.constant 0 : i32
    %sign3A_36 = vector.broadcast %sign3A_35 : i32 to vector<1x2560xi32>
    %sign3A_37 = arith.cmpi slt, %iota3A, %sign3A_36 : vector<1x2560xi32>
    %sign3A_38 = arith.extui %sign3A_37 : vector<1x2560xi1> to vector<1x2560xi32>
    %sign3A_39 = arith.subi %sign3A_34, %sign3A_38 : vector<1x2560xi32>
    %sign3A_40 = arith.constant 0 : i32
    %sign3A_41 = arith.cmpi sgt, %jit3A, %sign3A_40 : i32
    %sign3A_42 = arith.extui %sign3A_41 : i1 to i32
    %sign3A_43 = arith.constant 0 : i32
    %sign3A_44 = arith.cmpi slt, %jit3A, %sign3A_43 : i32
    %sign3A_45 = arith.extui %sign3A_44 : i1 to i32
    %sign3A_46 = arith.subi %sign3A_42, %sign3A_45 : i32
    %ne3A = vector.broadcast %sign3A_46 : i32 to vector<1x2560xi32>
    %ne3A_47 = arith.cmpi ne, %sign3A_39, %ne3A : vector<1x2560xi32>
    %rem3A = vector.broadcast %jit3A : i32 to vector<1x2560xi32>
    %rem3A_48 = arith.remsi %iota3A, %rem3A : vector<1x2560xi32>
    %ne3A_49 = arith.constant 0 : i32
    %ne3A_50 = vector.broadcast %ne3A_49 : i32 to vector<1x2560xi32>
    %ne3A_51 = arith.cmpi ne, %rem3A_48, %ne3A_50 : vector<1x2560xi32>
    %and3A = arith.andi %ne3A_47, %ne3A_51 : vector<1x2560xi1>
    %sub3A_52 = arith.constant 1 : i32
    %sub3A_53 = vector.broadcast %sub3A_52 : i32 to vector<1x2560xi32>
    %sub3A_54 = arith.subi %div3A_31, %sub3A_53 : vector<1x2560xi32>
    %select_n3A = arith.select %and3A, %sub3A_54, %div3A_31 : vector<1x2560xi1>, vector<1x2560xi32>
    %eq3A = vector.broadcast %select_n3A : vector<1x2560xi32> to vector<2048x2560xi32>
    %eq3A_55 = vector.broadcast %get3A_21 : vector<2048x1xi32> to vector<2048x2560xi32>
    %eq3A_56 = arith.cmpi eq, %eq3A, %eq3A_55 : vector<2048x2560xi32>
    %jit3A_57 = arith.constant 1.000000e+30 : f32
    %broadcast_in_dim3A_58 = vector.broadcast %jit3A_57 : f32 to vector<2048x2560xf32>
    %select_n3A_59 = arith.select %eq3A_56, %add3A_30, %broadcast_in_dim3A_58 : vector<2048x2560xi1>, vector<2048x2560xf32>
    %argmin3A = tpu.reduce_index %select_n3A_59 {axis = 1 : i32, kind = #tpu.reduction_kind<arg_min>} : vector<2048x2560xf32> -> vector<2048xi32>
    %broadcast_in_dim3A_60 = vector.shape_cast %argmin3A : vector<2048xi32> to vector<2048x1xi32>
    %swap3A = arith.constant 0 : index
    %swap3A_61 = arith.constant 0 : index
    %swap3A_62 = vector.load %arg7[%swap3A, %swap3A_61] : memref<2048x1xi32, #tpu.memory_space<vmem>>, vector<2048x1xi32>
    tpu.vector_store %arg7[%swap3A, %swap3A_61], %broadcast_in_dim3A_60 {strides = array<i32>} : memref<2048x1xi32, #tpu.memory_space<vmem>>, vector<2048x1xi32>,
    return
  }
  func.func @transform_0(%arg0: i32) -> (i32, i32) {
    %c0_i32 = arith.constant 0 : i32
    %c0_i32_0 = arith.constant 0 : i32
    return %arg0, %c0_i32 : i32, i32
  }
  func.func @transform_1(%arg0: i32) -> (i32, i32) {
    %c0_i32 = arith.constant 0 : i32
    %c0_i32_0 = arith.constant 0 : i32
    return %arg0, %c0_i32 : i32, i32
  }
  func.func @transform_2(%arg0: i32) -> (i32, i32) {
    %c0_i32 = arith.constant 0 : i32
    %c0_i32_0 = arith.constant 0 : i32
    %c0_i32_1 = arith.constant 0 : i32
    return %c0_i32, %c0_i32_0 : i32, i32
  }
  func.func @transform_3(%arg0: i32) -> (i32, i32) {
    %c0_i32 = arith.constant 0 : i32
    %c0_i32_0 = arith.constant 0 : i32
    %c0_i32_1 = arith.constant 0 : i32
    return %c0_i32, %c0_i32_0 : i32, i32
  }
  func.func @transform_4(%arg0: i32) -> (i32, i32) {
    %c0_i32 = arith.constant 0 : i32
    %c0_i32_0 = arith.constant 0 : i32
    return %arg0, %c0_i32 : i32, i32
  }
  func.func @transform_5(%arg0: i32) -> (i32, i32) {
    %c0_i32 = arith.constant 0 : i32
    %c0_i32_0 = arith.constant 0 : i32
    return %arg0, %c0_i32 : i32, i32
  }
  func.func @transform_6(%arg0: i32) -> (i32, i32) {
    %c0_i32 = arith.constant 0 : i32
    %c0_i32_0 = arith.constant 0 : i32
    return %arg0, %c0_i32 : i32, i32
  }
}

module attributes {stable_mosaic.version = 14 : i64} {
  func.func @_dec_body(%arg0: i32, %arg1: memref<2048x64xf32, #tpu.memory_space<vmem>>, %arg2: memref<2048x128xf32, #tpu.memory_space<vmem>>, %arg3: memref<2048x128xf32, #tpu.memory_space<vmem>>, %arg4: memref<2048x128xf32, #tpu.memory_space<vmem>>, %arg5: memref<64x256xf32, #tpu.memory_space<vmem>>, %arg6: memref<1x256xf32, #tpu.memory_space<vmem>>, %arg7: memref<256x512xf32, #tpu.memory_space<vmem>>, %arg8: memref<1x512xf32, #tpu.memory_space<vmem>>, %arg9: memref<512x768xf32, #tpu.memory_space<vmem>>, %arg10: memref<1x768xf32, #tpu.memory_space<vmem>>, %arg11: memref<2048x768xf32, #tpu.memory_space<vmem>>, %arg12: memref<2048x64xf32, #tpu.memory_space<vmem>>, %arg13: memref<1x1xf32, #tpu.memory_space<vmem>>, %arg14: memref<1x1xf32, #tpu.memory_space<vmem>>, %arg15: memref<1x1xf32, #tpu.memory_space<vmem>>) attributes {dimension_semantics = [#tpu.dimension_semantics<arbitrary>], iteration_bounds = array<i64: 8>, scalar_prefetch = 0 : i64, scratch_operands = 0 : i64, tpu.core_type = #tpu.core_type<tc>, window_params = [{transform_indices = @transform_0, window_bounds = array<i64: 2048, 64>}, {transform_indices = @transform_1, window_bounds = array<i64: 2048, 128>}, {transform_indices = @transform_2, window_bounds = array<i64: 2048, 128>}, {transform_indices = @transform_3, window_bounds = array<i64: 2048, 128>}, {pipeline_mode = #tpu.pipeline_mode<synchronous>, transform_indices = @transform_4, window_bounds = array<i64: 64, 256>}, {pipeline_mode = #tpu.pipeline_mode<synchronous>, transform_indices = @transform_5, window_bounds = array<i64: 1, 256>}, {pipeline_mode = #tpu.pipeline_mode<synchronous>, transform_indices = @transform_6, window_bounds = array<i64: 256, 512>}, {pipeline_mode = #tpu.pipeline_mode<synchronous>, transform_indices = @transform_7, window_bounds = array<i64: 1, 512>}, {pipeline_mode = #tpu.pipeline_mode<synchronous>, transform_indices = @transform_8, window_bounds = array<i64: 512, 768>}, {pipeline_mode = #tpu.pipeline_mode<synchronous>, transform_indices = @transform_9, window_bounds = array<i64: 1, 768>}, {transform_indices = @transform_10, window_bounds = array<i64: 2048, 768>}, {transform_indices = @transform_11, window_bounds = array<i64: 2048, 64>}, {pipeline_mode = #tpu.pipeline_mode<synchronous>, transform_indices = @transform_12, window_bounds = array<i64: 1, 1>}, {pipeline_mode = #tpu.pipeline_mode<synchronous>, transform_indices = @transform_13, window_bounds = array<i64: 1, 1>}, {pipeline_mode = #tpu.pipeline_mode<synchronous>, transform_indices = @transform_14, window_bounds = array<i64: 1, 1>}]} {
    %get3A = arith.constant 0 : index
    %get3A_0 = arith.constant 0 : index
    %get3A_1 = vector.load %arg1[%get3A, %get3A_0] : memref<2048x64xf32, #tpu.memory_space<vmem>>, vector<2048x64xf32>
    %broadcast_in_dim3A = arith.constant 0.000000e+00 : f32
    %broadcast_in_dim3A_2 = vector.broadcast %broadcast_in_dim3A : f32 to vector<2048x64xf32>
    %get3A_3 = arith.constant 0 : index
    %get3A_4 = arith.constant 0 : index
    %get3A_5 = vector.load %arg2[%get3A_3, %get3A_4] : memref<2048x128xf32, #tpu.memory_space<vmem>>, vector<2048x128xf32>
    %slice3A = vector.extract_strided_slice %get3A_5 {offsets = [0, 0], sizes = [2048, 64], strides = [1, 1]} : vector<2048x128xf32> to vector<2048x64xf32>
    %sub3A = arith.subf %slice3A, %get3A_1 : vector<2048x64xf32>
    %mul3A = arith.mulf %sub3A, %sub3A : vector<2048x64xf32>
    %reduce_sum3A = vector.shape_cast %mul3A : vector<2048x64xf32> to vector<1x2048x64xf32>
    %reduce_sum3A_6 = arith.constant dense<0.000000e+00> : vector<1xf32>
    %reduce_sum3A_7 = vector.multi_reduction <add>, %reduce_sum3A, %reduce_sum3A_6 [1, 2] : vector<1x2048x64xf32> to vector<1xf32>
    %reduce_sum3A_8 = vector.shape_cast %reduce_sum3A_7 : vector<1xf32> to vector<1x1x1xf32>
    %reduce_sum3A_9 = vector.extract %reduce_sum3A_8[0, 0, 0] : f32 from vector<1x1x1xf32>
    %reshape3A = vector.broadcast %reduce_sum3A_9 : f32 to vector<1x1xf32>
    %sub3A_10 = arith.subf %slice3A, %get3A_1 : vector<2048x64xf32>
    %add3A = arith.addf %get3A_1, %sub3A_10 : vector<2048x64xf32>
    %sub3A_11 = arith.subf %get3A_1, %add3A : vector<2048x64xf32>
    %add3A_12 = arith.addf %broadcast_in_dim3A_2, %add3A : vector<2048x64xf32>
    %eq3A = arith.constant 0 : i32
    %eq3A_13 = arith.cmpi eq, %arg0, %eq3A : i32
    %convert_element_type3A = arith.extui %eq3A_13 : i1 to i32
    %cond3A = arith.constant 0 : i32
    %cond3A_14 = arith.cmpi ne, %convert_element_type3A, %cond3A : i32
    scf.if %cond3A_14 {
      %swap3A_109 = arith.constant 0 : index
      %swap3A_110 = arith.constant 0 : index
      %swap3A_111 = vector.load %arg13[%swap3A_109, %swap3A_110] : memref<1x1xf32, #tpu.memory_space<vmem>>, vector<1x1xf32>
      tpu.vector_store %arg13[%swap3A_109, %swap3A_110], %reshape3A {strides = array<i32>} : memref<1x1xf32, #tpu.memory_space<vmem>>, vector<1x1xf32>,
    } else {
    }
    %ne3A = arith.constant 0 : i32
    %ne3A_15 = arith.cmpi ne, %arg0, %ne3A : i32
    %convert_element_type3A_16 = arith.extui %ne3A_15 : i1 to i32
    %cond3A_17 = arith.constant 0 : i32
    %cond3A_18 = arith.cmpi ne, %convert_element_type3A_16, %cond3A_17 : i32
    scf.if %cond3A_18 {
      %get3A_109 = arith.constant 0 : index
      %get3A_110 = arith.constant 0 : index
      %get3A_111 = vector.load %arg13[%get3A_109, %get3A_110] : memref<1x1xf32, #tpu.memory_space<vmem>>, vector<1x1xf32>
      %add3A_112 = arith.addf %get3A_111, %reshape3A : vector<1x1xf32>
      %swap3A_113 = arith.constant 0 : index
      %swap3A_114 = arith.constant 0 : index
      %swap3A_115 = vector.load %arg13[%swap3A_113, %swap3A_114] : memref<1x1xf32, #tpu.memory_space<vmem>>, vector<1x1xf32>
      tpu.vector_store %arg13[%swap3A_113, %swap3A_114], %add3A_112 {strides = array<i32>} : memref<1x1xf32, #tpu.memory_space<vmem>>, vector<1x1xf32>,
    } else {
    }
    %get3A_19 = arith.constant 0 : index
    %get3A_20 = arith.constant 0 : index
    %get3A_21 = vector.load %arg3[%get3A_19, %get3A_20] : memref<2048x128xf32, #tpu.memory_space<vmem>>, vector<2048x128xf32>
    %slice3A_22 = vector.extract_strided_slice %get3A_21 {offsets = [0, 0], sizes = [2048, 64], strides = [1, 1]} : vector<2048x128xf32> to vector<2048x64xf32>
    %sub3A_23 = arith.subf %slice3A_22, %sub3A_11 : vector<2048x64xf32>
    %mul3A_24 = arith.mulf %sub3A_23, %sub3A_23 : vector<2048x64xf32>
    %reduce_sum3A_25 = vector.shape_cast %mul3A_24 : vector<2048x64xf32> to vector<1x2048x64xf32>
    %reduce_sum3A_26 = arith.constant dense<0.000000e+00> : vector<1xf32>
    %reduce_sum3A_27 = vector.multi_reduction <add>, %reduce_sum3A_25, %reduce_sum3A_26 [1, 2] : vector<1x2048x64xf32> to vector<1xf32>
    %reduce_sum3A_28 = vector.shape_cast %reduce_sum3A_27 : vector<1xf32> to vector<1x1x1xf32>
    %reduce_sum3A_29 = vector.extract %reduce_sum3A_28[0, 0, 0] : f32 from vector<1x1x1xf32>
    %reshape3A_30 = vector.broadcast %reduce_sum3A_29 : f32 to vector<1x1xf32>
    %sub3A_31 = arith.subf %slice3A_22, %sub3A_11 : vector<2048x64xf32>
    %add3A_32 = arith.addf %sub3A_11, %sub3A_31 : vector<2048x64xf32>
    %sub3A_33 = arith.subf %sub3A_11, %add3A_32 : vector<2048x64xf32>
    %add3A_34 = arith.addf %add3A_12, %add3A_32 : vector<2048x64xf32>
    %eq3A_35 = arith.constant 0 : i32
    %eq3A_36 = arith.cmpi eq, %arg0, %eq3A_35 : i32
    %convert_element_type3A_37 = arith.extui %eq3A_36 : i1 to i32
    %cond3A_38 = arith.constant 0 : i32
    %cond3A_39 = arith.cmpi ne, %convert_element_type3A_37, %cond3A_38 : i32
    scf.if %cond3A_39 {
      %swap3A_109 = arith.constant 0 : index
      %swap3A_110 = arith.constant 0 : index
      %swap3A_111 = vector.load %arg14[%swap3A_109, %swap3A_110] : memref<1x1xf32, #tpu.memory_space<vmem>>, vector<1x1xf32>
      tpu.vector_store %arg14[%swap3A_109, %swap3A_110], %reshape3A_30 {strides = array<i32>} : memref<1x1xf32, #tpu.memory_space<vmem>>, vector<1x1xf32>,
    } else {
    }
    %ne3A_40 = arith.constant 0 : i32
    %ne3A_41 = arith.cmpi ne, %arg0, %ne3A_40 : i32
    %convert_element_type3A_42 = arith.extui %ne3A_41 : i1 to i32
    %cond3A_43 = arith.constant 0 : i32
    %cond3A_44 = arith.cmpi ne, %convert_element_type3A_42, %cond3A_43 : i32
    scf.if %cond3A_44 {
      %get3A_109 = arith.constant 0 : index
      %get3A_110 = arith.constant 0 : index
      %get3A_111 = vector.load %arg14[%get3A_109, %get3A_110] : memref<1x1xf32, #tpu.memory_space<vmem>>, vector<1x1xf32>
      %add3A_112 = arith.addf %get3A_111, %reshape3A_30 : vector<1x1xf32>
      %swap3A_113 = arith.constant 0 : index
      %swap3A_114 = arith.constant 0 : index
      %swap3A_115 = vector.load %arg14[%swap3A_113, %swap3A_114] : memref<1x1xf32, #tpu.memory_space<vmem>>, vector<1x1xf32>
      tpu.vector_store %arg14[%swap3A_113, %swap3A_114], %add3A_112 {strides = array<i32>} : memref<1x1xf32, #tpu.memory_space<vmem>>, vector<1x1xf32>,
    } else {
    }
    %get3A_45 = arith.constant 0 : index
    %get3A_46 = arith.constant 0 : index
    %get3A_47 = vector.load %arg4[%get3A_45, %get3A_46] : memref<2048x128xf32, #tpu.memory_space<vmem>>, vector<2048x128xf32>
    %slice3A_48 = vector.extract_strided_slice %get3A_47 {offsets = [0, 0], sizes = [2048, 64], strides = [1, 1]} : vector<2048x128xf32> to vector<2048x64xf32>
    %sub3A_49 = arith.subf %slice3A_48, %sub3A_33 : vector<2048x64xf32>
    %mul3A_50 = arith.mulf %sub3A_49, %sub3A_49 : vector<2048x64xf32>
    %reduce_sum3A_51 = vector.shape_cast %mul3A_50 : vector<2048x64xf32> to vector<1x2048x64xf32>
    %reduce_sum3A_52 = arith.constant dense<0.000000e+00> : vector<1xf32>
    %reduce_sum3A_53 = vector.multi_reduction <add>, %reduce_sum3A_51, %reduce_sum3A_52 [1, 2] : vector<1x2048x64xf32> to vector<1xf32>
    %reduce_sum3A_54 = vector.shape_cast %reduce_sum3A_53 : vector<1xf32> to vector<1x1x1xf32>
    %reduce_sum3A_55 = vector.extract %reduce_sum3A_54[0, 0, 0] : f32 from vector<1x1x1xf32>
    %reshape3A_56 = vector.broadcast %reduce_sum3A_55 : f32 to vector<1x1xf32>
    %sub3A_57 = arith.subf %slice3A_48, %sub3A_33 : vector<2048x64xf32>
    %add3A_58 = arith.addf %sub3A_33, %sub3A_57 : vector<2048x64xf32>
    %add3A_59 = arith.addf %add3A_34, %add3A_58 : vector<2048x64xf32>
    %eq3A_60 = arith.constant 0 : i32
    %eq3A_61 = arith.cmpi eq, %arg0, %eq3A_60 : i32
    %convert_element_type3A_62 = arith.extui %eq3A_61 : i1 to i32
    %cond3A_63 = arith.constant 0 : i32
    %cond3A_64 = arith.cmpi ne, %convert_element_type3A_62, %cond3A_63 : i32
    scf.if %cond3A_64 {
      %swap3A_109 = arith.constant 0 : index
      %swap3A_110 = arith.constant 0 : index
      %swap3A_111 = vector.load %arg15[%swap3A_109, %swap3A_110] : memref<1x1xf32, #tpu.memory_space<vmem>>, vector<1x1xf32>
      tpu.vector_store %arg15[%swap3A_109, %swap3A_110], %reshape3A_56 {strides = array<i32>} : memref<1x1xf32, #tpu.memory_space<vmem>>, vector<1x1xf32>,
    } else {
    }
    %ne3A_65 = arith.constant 0 : i32
    %ne3A_66 = arith.cmpi ne, %arg0, %ne3A_65 : i32
    %convert_element_type3A_67 = arith.extui %ne3A_66 : i1 to i32
    %cond3A_68 = arith.constant 0 : i32
    %cond3A_69 = arith.cmpi ne, %convert_element_type3A_67, %cond3A_68 : i32
    scf.if %cond3A_69 {
      %get3A_109 = arith.constant 0 : index
      %get3A_110 = arith.constant 0 : index
      %get3A_111 = vector.load %arg15[%get3A_109, %get3A_110] : memref<1x1xf32, #tpu.memory_space<vmem>>, vector<1x1xf32>
      %add3A_112 = arith.addf %get3A_111, %reshape3A_56 : vector<1x1xf32>
      %swap3A_113 = arith.constant 0 : index
      %swap3A_114 = arith.constant 0 : index
      %swap3A_115 = vector.load %arg15[%swap3A_113, %swap3A_114] : memref<1x1xf32, #tpu.memory_space<vmem>>, vector<1x1xf32>
      tpu.vector_store %arg15[%swap3A_113, %swap3A_114], %add3A_112 {strides = array<i32>} : memref<1x1xf32, #tpu.memory_space<vmem>>, vector<1x1xf32>,
    } else {
    }
    %swap3A = arith.constant 0 : index
    %swap3A_70 = arith.constant 0 : index
    %swap3A_71 = vector.load %arg12[%swap3A, %swap3A_70] : memref<2048x64xf32, #tpu.memory_space<vmem>>, vector<2048x64xf32>
    tpu.vector_store %arg12[%swap3A, %swap3A_70], %add3A_59 {strides = array<i32>} : memref<2048x64xf32, #tpu.memory_space<vmem>>, vector<2048x64xf32>,
    %get3A_72 = arith.constant 0 : index
    %get3A_73 = arith.constant 0 : index
    %get3A_74 = vector.load %arg5[%get3A_72, %get3A_73] : memref<64x256xf32, #tpu.memory_space<vmem>>, vector<64x256xf32>
    %dot_general3A = arith.constant dense<0.000000e+00> : vector<2048x256xf32>
    %dot_general3A_75 = tpu.matmul %add3A_59, %get3A_74, %dot_general3A {dimension_numbers = #tpu.dot_dimension_numbers<[1], [0], [0], [1], [0, 0, 1, 1], [], []>, transpose_lhs_hint = false} : vector<2048x64xf32>, vector<64x256xf32>, vector<2048x256xf32> -> vector<2048x256xf32>
    %get3A_76 = arith.constant 0 : index
    %get3A_77 = arith.constant 0 : index
    %get3A_78 = vector.load %arg6[%get3A_76, %get3A_77] : memref<1x256xf32, #tpu.memory_space<vmem>>, vector<1x256xf32>
    %add3A_79 = vector.broadcast %get3A_78 : vector<1x256xf32> to vector<2048x256xf32>
    %add3A_80 = arith.addf %dot_general3A_75, %add3A_79 : vector<2048x256xf32>
    %max3A = arith.constant 0.000000e+00 : f32
    %max3A_81 = vector.broadcast %max3A : f32 to vector<2048x256xf32>
    %max3A_82 = arith.maximumf %add3A_80, %max3A_81 : vector<2048x256xf32>
    %get3A_83 = arith.constant 0 : index
    %get3A_84 = arith.constant 0 : index
    %get3A_85 = vector.load %arg7[%get3A_83, %get3A_84] : memref<256x512xf32, #tpu.memory_space<vmem>>, vector<256x512xf32>
    %dot_general3A_86 = arith.constant dense<0.000000e+00> : vector<2048x512xf32>
    %dot_general3A_87 = tpu.matmul %max3A_82, %get3A_85, %dot_general3A_86 {dimension_numbers = #tpu.dot_dimension_numbers<[1], [0], [0], [1], [0, 0, 1, 1], [], []>, transpose_lhs_hint = false} : vector<2048x256xf32>, vector<256x512xf32>, vector<2048x512xf32> -> vector<2048x512xf32>
    %get3A_88 = arith.constant 0 : index
    %get3A_89 = arith.constant 0 : index
    %get3A_90 = vector.load %arg8[%get3A_88, %get3A_89] : memref<1x512xf32, #tpu.memory_space<vmem>>, vector<1x512xf32>
    %add3A_91 = vector.broadcast %get3A_90 : vector<1x512xf32> to vector<2048x512xf32>
    %add3A_92 = arith.addf %dot_general3A_87, %add3A_91 : vector<2048x512xf32>
    %max3A_93 = arith.constant 0.000000e+00 : f32
    %max3A_94 = vector.broadcast %max3A_93 : f32 to vector<2048x512xf32>
    %max3A_95 = arith.maximumf %add3A_92, %max3A_94 : vector<2048x512xf32>
    %get3A_96 = arith.constant 0 : index
    %get3A_97 = arith.constant 0 : index
    %get3A_98 = vector.load %arg9[%get3A_96, %get3A_97] : memref<512x768xf32, #tpu.memory_space<vmem>>, vector<512x768xf32>
    %dot_general3A_99 = arith.constant dense<0.000000e+00> : vector<2048x768xf32>
    %dot_general3A_100 = tpu.matmul %max3A_95, %get3A_98, %dot_general3A_99 {dimension_numbers = #tpu.dot_dimension_numbers<[1], [0], [0], [1], [0, 0, 1, 1], [], []>, transpose_lhs_hint = false} : vector<2048x512xf32>, vector<512x768xf32>, vector<2048x768xf32> -> vector<2048x768xf32>
    %get3A_101 = arith.constant 0 : index
    %get3A_102 = arith.constant 0 : index
    %get3A_103 = vector.load %arg10[%get3A_101, %get3A_102] : memref<1x768xf32, #tpu.memory_space<vmem>>, vector<1x768xf32>
    %add3A_104 = vector.broadcast %get3A_103 : vector<1x768xf32> to vector<2048x768xf32>
    %add3A_105 = arith.addf %dot_general3A_100, %add3A_104 : vector<2048x768xf32>
    %swap3A_106 = arith.constant 0 : index
    %swap3A_107 = arith.constant 0 : index
    %swap3A_108 = vector.load %arg11[%swap3A_106, %swap3A_107] : memref<2048x768xf32, #tpu.memory_space<vmem>>, vector<2048x768xf32>
    tpu.vector_store %arg11[%swap3A_106, %swap3A_107], %add3A_105 {strides = array<i32>} : memref<2048x768xf32, #tpu.memory_space<vmem>>, vector<2048x768xf32>,
    return
  }
  func.func @transform_0(%arg0: i32) -> (i32, i32) {
    %c0_i32 = arith.constant 0 : i32
    %c0_i32_0 = arith.constant 0 : i32
    return %arg0, %c0_i32 : i32, i32
  }
  func.func @transform_1(%arg0: i32) -> (i32, i32) {
    %c0_i32 = arith.constant 0 : i32
    %c0_i32_0 = arith.constant 0 : i32
    return %arg0, %c0_i32 : i32, i32
  }
  func.func @transform_2(%arg0: i32) -> (i32, i32) {
    %c0_i32 = arith.constant 0 : i32
    %c0_i32_0 = arith.constant 0 : i32
    return %arg0, %c0_i32 : i32, i32
  }
  func.func @transform_3(%arg0: i32) -> (i32, i32) {
    %c0_i32 = arith.constant 0 : i32
    %c0_i32_0 = arith.constant 0 : i32
    return %arg0, %c0_i32 : i32, i32
  }
  func.func @transform_4(%arg0: i32) -> (i32, i32) {
    %c0_i32 = arith.constant 0 : i32
    %c0_i32_0 = arith.constant 0 : i32
    %c0_i32_1 = arith.constant 0 : i32
    return %c0_i32, %c0_i32_0 : i32, i32
  }
  func.func @transform_5(%arg0: i32) -> (i32, i32) {
    %c0_i32 = arith.constant 0 : i32
    %c0_i32_0 = arith.constant 0 : i32
    %c0_i32_1 = arith.constant 0 : i32
    return %c0_i32, %c0_i32_0 : i32, i32
  }
  func.func @transform_6(%arg0: i32) -> (i32, i32) {
    %c0_i32 = arith.constant 0 : i32
    %c0_i32_0 = arith.constant 0 : i32
    %c0_i32_1 = arith.constant 0 : i32
    return %c0_i32, %c0_i32_0 : i32, i32
  }
  func.func @transform_7(%arg0: i32) -> (i32, i32) {
    %c0_i32 = arith.constant 0 : i32
    %c0_i32_0 = arith.constant 0 : i32
    %c0_i32_1 = arith.constant 0 : i32
    return %c0_i32, %c0_i32_0 : i32, i32
  }
  func.func @transform_8(%arg0: i32) -> (i32, i32) {
    %c0_i32 = arith.constant 0 : i32
    %c0_i32_0 = arith.constant 0 : i32
    %c0_i32_1 = arith.constant 0 : i32
    return %c0_i32, %c0_i32_0 : i32, i32
  }
  func.func @transform_9(%arg0: i32) -> (i32, i32) {
    %c0_i32 = arith.constant 0 : i32
    %c0_i32_0 = arith.constant 0 : i32
    %c0_i32_1 = arith.constant 0 : i32
    return %c0_i32, %c0_i32_0 : i32, i32
  }
  func.func @transform_10(%arg0: i32) -> (i32, i32) {
    %c0_i32 = arith.constant 0 : i32
    %c0_i32_0 = arith.constant 0 : i32
    return %arg0, %c0_i32 : i32, i32
  }
  func.func @transform_11(%arg0: i32) -> (i32, i32) {
    %c0_i32 = arith.constant 0 : i32
    %c0_i32_0 = arith.constant 0 : i32
    return %arg0, %c0_i32 : i32, i32
  }
  func.func @transform_12(%arg0: i32) -> (i32, i32) {
    %c0_i32 = arith.constant 0 : i32
    %c0_i32_0 = arith.constant 0 : i32
    %c0_i32_1 = arith.constant 0 : i32
    return %c0_i32, %c0_i32_0 : i32, i32
  }
  func.func @transform_13(%arg0: i32) -> (i32, i32) {
    %c0_i32 = arith.constant 0 : i32
    %c0_i32_0 = arith.constant 0 : i32
    %c0_i32_1 = arith.constant 0 : i32
    return %c0_i32, %c0_i32_0 : i32, i32
  }
  func.func @transform_14(%arg0: i32) -> (i32, i32) {
    %c0_i32 = arith.constant 0 : i32
    %c0_i32_0 = arith.constant 0 : i32
    %c0_i32_1 = arith.constant 0 : i32
    return %c0_i32, %c0_i32_0 : i32, i32
  }
}

</mosaic_0001>

<sc_bundles>
// kernel: _run.12.cloned.1.call-start
scs
__scs_entry_jumppad:
0x0: {  	(pc) =	sbr.rel $0x88, $3  }
0x1: {  	(tag) =	ssettag $0x0;
	lr =	simm.s32 $0x1  }
0x2: {  	[smem:$0x3F92] =	sst lr;
	_ =	strace $0xD0000000  }
0x3: {  	_ = 	snop  }
0x4: {  	_ = 	snop  }
0x5: {  	_ = 	snop  }
0x6: {  	_ = 	snop  }
0x7: {  	_ = 	snop  }
__scs_overlays_trampoline_lowered:
0x8: {  	[smem:$0x3FA1] =	sst s0  }
0x9: {  	[smem:$0x3FA2] =	sst s1  }
0xa: {  	[smem:$0x3FA3] =	sst s2  }
0xb: {  	[smem:$0x3FA4] =	sst s3  }
0xc: {  	[smem:$0x3FA5] =	sst s4  }
0xd: {  	[smem:$0x3FA6] =	sst s5  }
0xe: {  	[smem:$0x3FA7] =	sst s6  }
0xf: {  	[smem:$0x3FA8] =	sst s7  }
0x10: {  	[smem:$0x3FA9] =	sst s8  }
0x11: {  	[smem:$0x3FAA] =	sst s9;
	s0 =	simm.s32 @!p0 $0x0  }
0x12: {  	s1 =	sld [smem:$0x3F90];
	s0 =	simm.s32 @p0 $0x1  }
0x13: {  	[smem:$0x3FAB] =	sst s0;
	s0 =	simm.s32 @!p1 $0x0  }
0x14: {  	s2 =	sld [smem:$0x3F8F];
	s0 =	simm.s32 @p1 $0x1  }
0x15: {  	[smem:$0x3FAC] =	sst s0;
	s0 =	simm.s32 @!p2 $0x0  }
0x16: {  	s3 =	sld [smem:$0x3FDB];
	s0 =	simm.s32 @p2 $0x1  }
0x17: {  	s4 =	simm.s32 $0x1BF5;
	[smem:$0x3FAE] =	sst s0  }
0x18: {  	s0 =	sld [smem:$0x3F91];
	_ =	swait.ge [sflag:s4], $0x0  }
0x19: {  	s7 =	sld [smem:$0x3F92]  }
0x1a: {  	s8 =	sadd.s32 $0xFFFFE003, lr  }
0x1b: {  	s9 =	sadd.s32 $0xFFFFFEF7, lr;
	s5 =	simm.s32 $0xFFFFFFFF;
	p2 =	slt.u32 s8, $0xFFFFF086  }
0x1c: {  	p1 =	slt.u32 s9, $0xF7A;
	s5 =	simm.s32 @!p2 $0x0  }
0x1d: {  	s5 =	simm.s32 @p1 $0x1;
	p0 =	seq.s32 s7, s2  }
0x1e: {  	s7 =	smul.u32 @!p0 $0xF7A, s2;
	p2 =	seq.s32 @!p0 s5, $0x0  }
0x1f: {  	s9 =	smul.u32 $0xF7A, s1;
	s8 =	simm.s32 @!p0 $0x1BF5;
	p2 =	por !p2, p0  }
0x20: {  	[sflag:s8] =	ssyncset.s32 @!p0 $0xFFFFF086;
	s6 =	sadd.s32 @!p0 s3, s7;
	s7 =	simm.s32 @!p0 $0x108  }
0x21: {  	s3 =	sadd.s32 s3, s9;
	s6 =	sadd.s32 @!p0 $0x88, s6;
	s7 =	simm.s32 @p2 $0x1082  }
0x22: {  	[simem:s7], [sflag:s8] =	dma.local @!p0 [hbm:s6], $0xF7A  }
0x23: {  	s9 =	sor.u32 $0xD0000000, s2;
	s6 =	simm.s32 $0x108;
	_ =	swait.ge @!p0 [sflag:s8], $0x0  }
0x24: {  	s3 =	sadd.s32 $0x88, s3;
	s6 =	simm.s32 @!p1 $0x1082;
	[sflag:s4] =	ssyncset.s32 $0xFFFFF086  }
0x25: {  	[simem:s6], [sflag:s4] =	dma.local [hbm:s3], $0xF7A  }
0x26: {  	[smem:$0x3F92] =	sst s1;
	(tag) =	ssettag s2;
	_ =	strace s9  }
0x27: {  	s1 =	sld [smem:$0x3FA2]  }
0x28: {  	s2 =	sld [smem:$0x3FA3]  }
0x29: {  	s4 =	sld [smem:$0x3FA5]  }
0x2a: {  	p0 =	seq.s32 s5, $0x0;
	s5 =	sld [smem:$0x3FA6]  }
0x2b: {  	s6 =	sld [smem:$0x3FA7]  }
0x2c: {  	s7 =	sld [smem:$0x3FA8]  }
0x2d: {  	s3 =	simm.s32 $0x108;
	s8 =	sld [smem:$0x3FA9]  }
0x2e: {  	s3 =	simm.s32 @!p0 $0x1082;
	s9 =	sld [smem:$0x3FAA]  }
0x2f: {  	lr =	sadd.s32 s0, s3;
	s0 =	sld [smem:$0x3FA1]  }
0x30: {  	s3 =	sld [smem:$0x3FA4]  }
0x31: {  	[smem:$0x3FAD] =	sst s10  }
0x32: {  	s10 =	sld [smem:$0x3FAB];
	_ =	sdelay $0x3  }
0x33: {  	p0 =	seq.s32 s10, $0x1;
	s10 =	sld [smem:$0x3FAD];
	_ =	sdelay $0x3  }
0x34: {  	[smem:$0x3FAD] =	sst s10  }
0x35: {  	s10 =	sld [smem:$0x3FAC];
	_ =	sdelay $0x3  }
0x36: {  	p1 =	seq.s32 s10, $0x1;
	s10 =	sld [smem:$0x3FAD];
	_ =	sdelay $0x3  }
0x37: {  	[smem:$0x3FAD] =	sst s10  }
0x38: {  	s10 =	sld [smem:$0x3FAE]  }
0x39: {  	_ = 	snop;
	(pc) =	sbr.ind lr, $3  }
0x3a: {  	_ = 	snop  }
0x3b: {  	_ = 	snop  }
0x3c: {  	p2 =	seq.s32 s10, $0x1;
	s10 =	sld [smem:$0x3FAD]  }
0x3d: {  	_ =	shalt  }
0x3e: {  	_ =	shalt  }
0x3f: {  	_ =	shalt  }
0x40: {  	_ =	shalt  }
0x41: {  	_ =	shalt  }
0x42: {  	_ =	shalt  }
0x43: {  	_ =	shalt  }
0x44: {  	_ =	shalt  }
0x45: {  	_ =	shalt  }
0x46: {  	_ =	shalt  }
0x47: {  	_ =	shalt  }
0x48: {  	_ =	shalt  }
0x49: {  	_ =	shalt  }
0x4a: {  	_ =	shalt  }
0x4b: {  	_ =	shalt  }
0x4c: {  	_ =	shalt  }
0x4d: {  	_ =	shalt  }
0x4e: {  	_ =	shalt  }
0x4f: {  	_ =	shalt  }
0x50: {  	_ =	shalt  }
0x51: {  	_ =	shalt  }
0x52: {  	_ =	shalt  }
0x53: {  	_ =	shalt  }
0x54: {  	_ =	shalt  }
0x55: {  	_ =	shalt  }
0x56: {  	_ =	shalt  }
0x57: {  	_ =	shalt  }
0x58: {  	_ =	shalt  }
0x59: {  	_ =	shalt  }
0x5a: {  	_ =	shalt  }
0x5b: {  	_ =	shalt  }
0x5c: {  	_ =	shalt  }
0x5d: {  	_ =	shalt  }
0x5e: {  	_ =	shalt  }
0x5f: {  	_ =	shalt  }
0x60: {  	_ =	shalt  }
0x61: {  	_ =	shalt  }
0x62: {  	_ =	shalt  }
0x63: {  	_ =	shalt  }
0x64: {  	_ =	shalt  }
0x65: {  	_ =	shalt  }
0x66: {  	_ =	shalt  }
0x67: {  	_ =	shalt  }
0x68: {  	_ =	shalt  }
0x69: {  	_ =	shalt  }
0x6a: {  	_ =	shalt  }
0x6b: {  	_ =	shalt  }
0x6c: {  	_ =	shalt  }
0x6d: {  	_ =	shalt  }
0x6e: {  	_ =	shalt  }
0x6f: {  	_ =	shalt  }
0x70: {  	_ =	shalt  }
0x71: {  	_ =	shalt  }
0x72: {  	_ =	shalt  }
0x73: {  	_ =	shalt  }
0x74: {  	_ =	shalt  }
0x75: {  	_ =	shalt  }
0x76: {  	_ =	shalt  }
0x77: {  	_ =	shalt  }
0x78: {  	_ =	shalt  }
0x79: {  	_ =	shalt  }
0x7a: {  	_ =	shalt  }
0x7b: {  	_ =	shalt  }
0x7c: {  	_ =	shalt  }
0x7d: {  	_ =	shalt  }
0x7e: {  	_ =	shalt  }
0x7f: {  	_ =	shalt  }
0x80: {  	_ =	shalt  }
0x81: {  	_ =	shalt  }
0x82: {  	_ =	shalt  }
0x83: {  	_ =	shalt  }
0x84: {  	_ =	shalt  }
0x85: {  	_ =	shalt  }
0x86: {  	_ =	shalt  }
0x87: {  	_ =	shalt  }
.Lfunc_end0:
.L_simem_size_0:
called_computation.1_lowered:
.L_overlay_start_0:
0x88: {  	s2 =	sld [smem:$0x3FD9]  }
0x89: {  	s3 =	sld [smem:$0x3FFE];
	_ =	sdelay $0x1  }
0x8a: {  	s1 =	srdreg.scid  }
0x8b: {  	s0 =	sand.u32 $0x1, s1  }
0x8c: {  	s14 =	sshll.u32 s0, $0xA;
	s2 =	sadd.s32 s3, s2  }
0x8d: {  	s2 =	sadd.s32 s2, s14  }
0x8e: {  	[smem:$0x3FB9] =	sst s2  }
0x8f: {  	_ = 	snop  }
0x90: {  	s2 =	sld [smem:$0x3FD0];
	_ =	sdelay $0x2  }
0x91: {  	s15 =	simm.s32 $0xA;
	s4 =	simm.s32 $0x10  }
0x92: {  	[smem:s4], [sflag:s15] =	dma.local [hbm:s2], $0x1  }
0x93: {  	_ =	swait.eq [sflag:s15], $0x1  }
0x94: {  	[sflag:s15] =	ssyncset.done $0x0  }
0x95: {  	[sflag:s15] =	ssyncadd.s32 $0xFFFFFFFF  }
0x96: {  	s16 =	sld [smem:$0x12];
	(tm) =	ssettm $0x1  }
0x97: {  	s17 =	sld [smem:$0x3FFB];
	_ =	sdelay $0x3  }
0x98: {  	_ =	strace s17  }
0x99: {  	s3 =	sld [smem:$0x3FFC];
	_ =	sdelay $0x3  }
0x9a: {  	_ =	strace s3  }
0x9b: {  	s3 =	sld [smem:$0x3FFD];
	_ =	sdelay $0x3  }
0x9c: {  	_ =	strace s3  }
0x9d: {  	_ =	strace $0x8FFFFFFF  }
0x9e: {  	s18 =	sld [smem:$0x3FDB];
	_ =	sdelay $0x1  }
0x9f: {  	s19 =	simm.s32 $_scs_section_size  }
0xa0: {  	s5 =	simm.s32 $_size__tile_overlayer_lowered;
	s6 =	simm.s32 $_tile_overlayer_lowered  }
0xa1: {  	s22 =	simm.s32 $0x1BFF;
	s21 =	sshll.u32 s6, $0x1;
	s3 =	sadd.s32 s19, s18  }
0xa2: {  	s7 =	simm.s32 $0x0;
	s20 =	sshll.u32 s5, $0x1;
	s5 =	sadd.s32 s21, s3  }
0xa3: {  	[timem:s7], [sflag:s22] =	dma.local [hbm:s5], s20  }
0xa4: {  	_ =	swait.ge [sflag:s22], s20  }
0xa5: {  	s4 =	ssub.s32 $0x0, s20;
	[sflag:s22] =	ssyncset.done $0x0  }
0xa6: {  	[sflag:s22] =	ssyncadd.s32 s4;
	_ =	sdelay $0x1  }
0xa7: {  	s23 =	simm.s32 $0x1B8B  }
0xa8: {  	_ =	swait.ge [sflag:s23], $0x1  }
0xa9: {  	[sflag:s23] =	ssyncset.done $0x0  }
0xaa: {  	s25 =	simm.s32 $0x1B8E;
	s24 =	sld [smem:$0x3FFE];
	[sflag:s23] =	ssyncadd.s32 $0xFFFFFFFF  }
0xab: {  	s26 =	simm.s32 $execute0_lowered;
	[smem:$0x3FD2] =	sst s25  }
0xac: {  	s5 =	sshll.u32 s26, $0x1;
	_ =	strace $0x80000049;
	[dreg:$0x1] =	wrdreg $0xFFFFFFFF  }
0xad: {  	s28 =	simm.s32 $_size_execute0_lowered;
	s3 =	sadd.s32 s3, s5;
	[dreg:$0x0] =	wrdreg $0x0  }
0xae: {  	s5 =	sshll.u32 s28, $0x1;
	[dreg:$0x2] =	wrdreg s3  }
0xaf: {  	[dreg:$0x3] =	wrdreg s5  }
0xb0: {  	[dreg:$0x4] =	wrdreg $0xC0  }
0xb1: {  	_ =	task [dreg:s7], $0x5FFFF  }
0xb2: {  	[dreg:$0x1] =	wrdreg $0xFFFFFFFF  }
0xb3: {  	[dreg:$0x0] =	wrdreg $0x60  }
0xb4: {  	[dreg:$0x2] =	wrdreg s24  }
0xb5: {  	[dreg:$0x3] =	wrdreg s16  }
0xb6: {  	[dreg:$0x4] =	wrdreg $0x9  }
0xb7: {  	_ =	task.clear_ibuf [dreg:s7], $0x5FFFF;
	_ =	strace $0x90000049  }
0xb8: {  	s29 =	simm.s32 $0x9;
	_ =	strace $0x8000004B  }
0xb9: {  	_ =	swait.ge [sflag:s29], $0x1  }
0xba: {  	[sflag:s29] =	ssyncadd.s32 $0xFFFFFFFF  }
0xbb: {  	_ =	strace $0x9000004B  }
0xbc: {  	_ =	sfence  }
0xbd: {  	s30 =	sld [smem:$0x0];
	_ =	sdelay $0x2  }
0xbe: {  	s31 =	sshll.u32 s1, $0xD;
	s1 =	sshrl.u32 s1, $0x2  }
0xbf: {  	s3 =	sand.u32 $0x4000, s31;
	s1 =	sadd.s32 s1, s30  }
0xc0: {  	s0 =	sor.u32 s3, s0;
	s1 =	sshll.u32 s1, $0x11  }
0xc1: {  	s0 =	sor.u32 s1, s0  }
0xc2: {  	s0 =	sadd.s32 $0x8F2B, s0  }
0xc3: {  	[sflag:s0] =	ssyncadd.remote.s32 $0x1  }
0xc4: {  	_ =	sfence.sel $0xFFFF  }
0xc5: {  	[dreg:$0x0] =	wrdreg $0xFFFFFFFF;
	(pc) =	sbr.abs _section_cstart, $3  }
0xc6: {  	[dreg:$0x1] =	wrdreg $0xFFFFFFFF  }
0xc7: {  	_ =	task.clear_ibuf [dreg:s7], $0x2FFFF;
	_ =	strace $0x9FFFFFFF  }
0xc8: {  	(tm) =	ssettm $0x7FFFFFFF  }
0xc9: {  	_ =	shalt  }
tec
execute0_lowered:
.L_overlay_start_1:
0x0: {  	(tag) =	ssettag $0x1  }
0x1: {  	s14 =	rddreg [dreg:$0x0]  }
0x2: {  	s3 =	rddreg [dreg:$0x1];
	s1 =	srdreg.scid  }
0x3: {  	s0 =	rddreg [dreg:$0x2];
	s15 =	sand.u32 $0x1, s1  }
0x4: {  	s2 =	simm.s32 $0x0;
	s1 =	stileid.u32;
	s4 =	sshll.u32 s15, $0x6  }
0x5: {  	[smem:$0x7FF] =	sst s2;
	s5 =	sshll.u32 s1, $0x7;
	s3 =	sadd.s32 s3, s4  }
0x6: {  	_ =	strace $0x8000004A;
	s4 =	sadd.s32 s5, s3;
	s3 =	simm.s32 $0x2  }
0x7: {  	[tilespmem:s2], [sflag:$0x2] =	stream.linear.gather [hbm4b:s4+s2], $0x200, $0x38;
	[tilespmem:$0x10200] =	vst v63  }
0x8: {  	_ =	swait.ge [sflag:s3], $0x200  }
0x9: {  	s6 =	simm.s32 $0x80;
	[sflag:s3] =	ssyncset.done $0x0  }
0xa: {  	s7 =	simm.s32 $0x200;
	s5 =	sadd.s32 $0xAC00, s14;
	[sflag:s3] =	ssyncadd.s32 $0xFFFFFE00  }
0xb: {  	[tilespmem:s7], [sflag:$0x1] =	stream.indirect.gather [hbm4b:s5+s6], $0x80, s2, s6, $0xb8;
	[tilespmem:$0x10200] =	vst v63  }
0xc: {  	s8 =	simm.s32 $0x4200  }
0xd: {  	[tilespmem:s8], [sflag:$0x1] =	stream.indirect.gather [hbm4b:s5+s6], $0x80, s6, s6, $0xb8;
	[tilespmem:$0x10200] =	vst v63  }
0xe: {  	s9 =	simm.s32 $0x100;
	s10 =	simm.s32 $0x8200  }
0xf: {  	[tilespmem:s10], [sflag:$0x1] =	stream.indirect.gather [hbm4b:s5+s6], $0x80, s9, s6, $0xb8;
	[tilespmem:$0x10200] =	vst v63  }
0x10: {  	s11 =	simm.s32 $0x180;
	s12 =	simm.s32 $0xC200;
	s13 =	simm.s32 $0x1  }
0x11: {  	[tilespmem:s12], [sflag:$0x1] =	stream.indirect.gather [hbm4b:s5+s6], $0x80, s11, s6, $0xb8;
	[tilespmem:$0x10200] =	vst v63  }
0x12: {  	_ =	swait.ge [sflag:s13], $0x4000  }
0x13: {  	[sflag:s13] =	ssyncset.done $0x0  }
0x14: {  	[sflag:s13] =	ssyncadd.s32 $0xFFFFC000  }
0x15: {  	_ =	swait.ge [sflag:s13], $0x4000  }
0x16: {  	[sflag:s13] =	ssyncset.done $0x0  }
0x17: {  	s16 =	sshll.u32 s15, $0xD;
	s15 =	ssub.s32 $0x2, s15;
	[sflag:s13] =	ssyncadd.s32 $0xFFFFC000  }
0x18: {  	s31 =	sshrl.u32 s15, $0x1;
	_ =	swait.ge [sflag:s13], $0x4000  }
0x19: {  	s15 =	ssub.s32 s15, s31;
	[sflag:s13] =	ssyncset.done $0x0  }
0x1a: {  	s17 =	sshll.u32 s1, $0xE;
	s15 =	smax.u32 s15, $0x1;
	[sflag:s13] =	ssyncadd.s32 $0xFFFFC000  }
0x1b: {  	s14 =	sadd.s32 s16, s14;
	p0 =	sne.s32 s15, $0x1;
	_ =	swait.ge [sflag:s13], $0x4000  }
.Ltmp0:
0x1c: {  	s14 =	sadd.s32 s17, s14;
	[sflag:s13] =	ssyncset.done $0x0;
	(pc) =	sbr.rel @!p0 .LBB2_2-.Ltmp0, $4  }
0x1d: {  	s14 =	sadd.s32 $0x94C00, s14;
	[sflag:s13] =	ssyncadd.s32 $0xFFFFC000  }
0x1e: {  	[hbm4b:s14+s2] =	stream.linear.scatter [tilespmem:s7], [sflag:$0x2], $0x10000, $0x38;
	[tilespmem:$0x10200] =	vst v63  }
0x1f: {  	_ =	swait.ge [sflag:s3], $0x10000  }
0x20: {  	s15 =	sadd.s32 $0xFFFFFFFF, s15;
	[sflag:s3] =	ssyncset.done $0x0  }
.LBB2_1:
0x21: {  	p0 =	sne.s32 s15, $0x1;
	s15 =	sadd.s32 $0xFFFFFFFF, s15;
	[sflag:s3] =	ssyncadd.s32 $0xFFFF0000  }
0x22: {  	[tilespmem:s2], [sflag:$0x2] =	stream.linear.gather [hbm4b:s4+s2], $0x200, $0x38;
	[tilespmem:$0x10200] =	vst v63  }
0x23: {  	_ =	swait.ge [sflag:s3], $0x200  }
0x24: {  	[sflag:s3] =	ssyncset.done $0x0  }
0x25: {  	[sflag:s3] =	ssyncadd.s32 $0xFFFFFE00  }
0x26: {  	[tilespmem:s7], [sflag:$0x1] =	stream.indirect.gather [hbm4b:s5+s6], $0x80, s2, s6, $0xb8;
	[tilespmem:$0x10200] =	vst v63  }
0x27: {  	_ = 	snop  }
0x28: {  	[tilespmem:s8], [sflag:$0x1] =	stream.indirect.gather [hbm4b:s5+s6], $0x80, s6, s6, $0xb8;
	[tilespmem:$0x10200] =	vst v63  }
0x29: {  	_ = 	snop  }
0x2a: {  	[tilespmem:s10], [sflag:$0x1] =	stream.indirect.gather [hbm4b:s5+s6], $0x80, s9, s6, $0xb8;
	[tilespmem:$0x10200] =	vst v63  }
0x2b: {  	_ = 	snop  }
0x2c: {  	[tilespmem:s12], [sflag:$0x1] =	stream.indirect.gather [hbm4b:s5+s6], $0x80, s11, s6, $0xb8;
	[tilespmem:$0x10200] =	vst v63  }
0x2d: {  	_ =	swait.ge [sflag:s13], $0x4000  }
0x2e: {  	[sflag:s13] =	ssyncset.done $0x0  }
0x2f: {  	[sflag:s13] =	ssyncadd.s32 $0xFFFFC000  }
0x30: {  	_ =	swait.ge [sflag:s13], $0x4000  }
0x31: {  	[sflag:s13] =	ssyncset.done $0x0  }
0x32: {  	[sflag:s13] =	ssyncadd.s32 $0xFFFFC000  }
0x33: {  	_ =	swait.ge [sflag:s13], $0x4000  }
0x34: {  	[sflag:s13] =	ssyncset.done $0x0  }
0x35: {  	[sflag:s13] =	ssyncadd.s32 $0xFFFFC000  }
0x36: {  	_ =	swait.ge [sflag:s13], $0x4000  }
.Ltmp1:
0x37: {  	[sflag:s13] =	ssyncset.done $0x0;
	(pc) =	sbr.rel @p0 .LBB2_1-.Ltmp1, $4  }
0x38: {  	[sflag:s13] =	ssyncadd.s32 $0xFFFFC000  }
0x39: {  	[hbm4b:s14+s2] =	stream.linear.scatter [tilespmem:s7], [sflag:$0x2], $0x10000, $0x38;
	[tilespmem:$0x10200] =	vst v63  }
0x3a: {  	_ =	swait.ge [sflag:s3], $0x10000  }
0x3b: {  	[sflag:s3] =	ssyncset.done $0x0  }
.LBB2_2:
0x3c: {  	[sflag:s3] =	ssyncadd.s32 $0xFFFF0000  }
0x3d: {  	_ =	sfence.sel $0x180000  }
0x3e: {  	[bflag:$0x0] =	sbarrier.arrive $0xFFFF  }
0x3f: {  	p0 =	sne.s32 s1, $0x0;
	_ =	strace $0x9000004A  }
0x40: {  	s0 =	sadd.s32 @!p0 $0x100000, s0;
	[bflag:$0x2] =	sbarrier.arrive $0xFFFF  }
0x41: {  	[sflag:s0] =	ssyncadd.tile.s32 @!p0 $0x1;
	_ =	shalt  }
.Lfunc_end2:
_tile_overlayer_lowered:
.L_overlay_start_2:
0x42: {  	(tag) =	ssettag $0x2  }
0x43: {  	s0 =	rddreg [dreg:$0x0];
	s2 =	stileid.u32  }
0x44: {  	s1 =	rddreg [dreg:$0x1];
	p0 =	sne.s32 s2, $0x0  }
0x45: {  	s3 =	rddreg [dreg:$0x2];
	[bflag:$0x3] =	sbarrier.arrive $0xFFFF;
	s2 =	simm.s32 @!p0 $0x1C02  }
0x46: {  	[timem:s3], [sflag:s2] =	dma.local @!p0 [hbm:s0], s1  }
0x47: {  	s0 =	simm.s32 @!p0 $0x2  }
0x48: {  	_ =	swait.ge @!p0 [sflag:s0], s1  }
0x49: {  	s1 =	ssub.s32 @!p0 $0x0, s1;
	[sflag:s0] =	ssyncset.done @!p0 $0x0  }
0x4a: {  	[sflag:s0] =	ssyncadd.s32 @!p0 s1  }
0x4b: {  	[bflag:$0x3] =	sbarrier.arrive $0xFFFF  }
0x4c: {  	_ =	shalt  }

// kernel: _run.15.cloned.1.call-start
scs
__scs_entry_jumppad:
0x0: {  	(pc) =	sbr.rel $0x88, $3  }
0x1: {  	(tag) =	ssettag $0x0;
	lr =	simm.s32 $0x1  }
0x2: {  	[smem:$0x3F92] =	sst lr;
	_ =	strace $0xD0000000  }
0x3: {  	_ = 	snop  }
0x4: {  	_ = 	snop  }
0x5: {  	_ = 	snop  }
0x6: {  	_ = 	snop  }
0x7: {  	_ = 	snop  }
__scs_overlays_trampoline_lowered:
0x8: {  	[smem:$0x3FA1] =	sst s0  }
0x9: {  	[smem:$0x3FA2] =	sst s1  }
0xa: {  	[smem:$0x3FA3] =	sst s2  }
0xb: {  	[smem:$0x3FA4] =	sst s3  }
0xc: {  	[smem:$0x3FA5] =	sst s4  }
0xd: {  	[smem:$0x3FA6] =	sst s5  }
0xe: {  	[smem:$0x3FA7] =	sst s6  }
0xf: {  	[smem:$0x3FA8] =	sst s7  }
0x10: {  	[smem:$0x3FA9] =	sst s8  }
0x11: {  	[smem:$0x3FAA] =	sst s9;
	s0 =	simm.s32 @!p0 $0x0  }
0x12: {  	s1 =	sld [smem:$0x3F90];
	s0 =	simm.s32 @p0 $0x1  }
0x13: {  	[smem:$0x3FAB] =	sst s0;
	s0 =	simm.s32 @!p1 $0x0  }
0x14: {  	s2 =	sld [smem:$0x3F8F];
	s0 =	simm.s32 @p1 $0x1  }
0x15: {  	[smem:$0x3FAC] =	sst s0;
	s0 =	simm.s32 @!p2 $0x0  }
0x16: {  	s3 =	sld [smem:$0x3FDB];
	s0 =	simm.s32 @p2 $0x1  }
0x17: {  	s4 =	simm.s32 $0x1BF5;
	[smem:$0x3FAE] =	sst s0  }
0x18: {  	s0 =	sld [smem:$0x3F91];
	_ =	swait.ge [sflag:s4], $0x0  }
0x19: {  	s7 =	sld [smem:$0x3F92]  }
0x1a: {  	s8 =	sadd.s32 $0xFFFFE003, lr  }
0x1b: {  	s9 =	sadd.s32 $0xFFFFFEF7, lr;
	s5 =	simm.s32 $0xFFFFFFFF;
	p2 =	slt.u32 s8, $0xFFFFF086  }
0x1c: {  	p1 =	slt.u32 s9, $0xF7A;
	s5 =	simm.s32 @!p2 $0x0  }
0x1d: {  	s5 =	simm.s32 @p1 $0x1;
	p0 =	seq.s32 s7, s2  }
0x1e: {  	s7 =	smul.u32 @!p0 $0xF7A, s2;
	p2 =	seq.s32 @!p0 s5, $0x0  }
0x1f: {  	s9 =	smul.u32 $0xF7A, s1;
	s8 =	simm.s32 @!p0 $0x1BF5;
	p2 =	por !p2, p0  }
0x20: {  	[sflag:s8] =	ssyncset.s32 @!p0 $0xFFFFF086;
	s6 =	sadd.s32 @!p0 s3, s7;
	s7 =	simm.s32 @!p0 $0x108  }
0x21: {  	s3 =	sadd.s32 s3, s9;
	s6 =	sadd.s32 @!p0 $0x88, s6;
	s7 =	simm.s32 @p2 $0x1082  }
0x22: {  	[simem:s7], [sflag:s8] =	dma.local @!p0 [hbm:s6], $0xF7A  }
0x23: {  	s9 =	sor.u32 $0xD0000000, s2;
	s6 =	simm.s32 $0x108;
	_ =	swait.ge @!p0 [sflag:s8], $0x0  }
0x24: {  	s3 =	sadd.s32 $0x88, s3;
	s6 =	simm.s32 @!p1 $0x1082;
	[sflag:s4] =	ssyncset.s32 $0xFFFFF086  }
0x25: {  	[simem:s6], [sflag:s4] =	dma.local [hbm:s3], $0xF7A  }
0x26: {  	[smem:$0x3F92] =	sst s1;
	(tag) =	ssettag s2;
	_ =	strace s9  }
0x27: {  	s1 =	sld [smem:$0x3FA2]  }
0x28: {  	s2 =	sld [smem:$0x3FA3]  }
0x29: {  	s4 =	sld [smem:$0x3FA5]  }
0x2a: {  	p0 =	seq.s32 s5, $0x0;
	s5 =	sld [smem:$0x3FA6]  }
0x2b: {  	s6 =	sld [smem:$0x3FA7]  }
0x2c: {  	s7 =	sld [smem:$0x3FA8]  }
0x2d: {  	s3 =	simm.s32 $0x108;
	s8 =	sld [smem:$0x3FA9]  }
0x2e: {  	s3 =	simm.s32 @!p0 $0x1082;
	s9 =	sld [smem:$0x3FAA]  }
0x2f: {  	lr =	sadd.s32 s0, s3;
	s0 =	sld [smem:$0x3FA1]  }
0x30: {  	s3 =	sld [smem:$0x3FA4]  }
0x31: {  	[smem:$0x3FAD] =	sst s10  }
0x32: {  	s10 =	sld [smem:$0x3FAB];
	_ =	sdelay $0x3  }
0x33: {  	p0 =	seq.s32 s10, $0x1;
	s10 =	sld [smem:$0x3FAD];
	_ =	sdelay $0x3  }
0x34: {  	[smem:$0x3FAD] =	sst s10  }
0x35: {  	s10 =	sld [smem:$0x3FAC];
	_ =	sdelay $0x3  }
0x36: {  	p1 =	seq.s32 s10, $0x1;
	s10 =	sld [smem:$0x3FAD];
	_ =	sdelay $0x3  }
0x37: {  	[smem:$0x3FAD] =	sst s10  }
0x38: {  	s10 =	sld [smem:$0x3FAE]  }
0x39: {  	_ = 	snop;
	(pc) =	sbr.ind lr, $3  }
0x3a: {  	_ = 	snop  }
0x3b: {  	_ = 	snop  }
0x3c: {  	p2 =	seq.s32 s10, $0x1;
	s10 =	sld [smem:$0x3FAD]  }
0x3d: {  	_ =	shalt  }
0x3e: {  	_ =	shalt  }
0x3f: {  	_ =	shalt  }
0x40: {  	_ =	shalt  }
0x41: {  	_ =	shalt  }
0x42: {  	_ =	shalt  }
0x43: {  	_ =	shalt  }
0x44: {  	_ =	shalt  }
0x45: {  	_ =	shalt  }
0x46: {  	_ =	shalt  }
0x47: {  	_ =	shalt  }
0x48: {  	_ =	shalt  }
0x49: {  	_ =	shalt  }
0x4a: {  	_ =	shalt  }
0x4b: {  	_ =	shalt  }
0x4c: {  	_ =	shalt  }
0x4d: {  	_ =	shalt  }
0x4e: {  	_ =	shalt  }
0x4f: {  	_ =	shalt  }
0x50: {  	_ =	shalt  }
0x51: {  	_ =	shalt  }
0x52: {  	_ =	shalt  }
0x53: {  	_ =	shalt  }
0x54: {  	_ =	shalt  }
0x55: {  	_ =	shalt  }
0x56: {  	_ =	shalt  }
0x57: {  	_ =	shalt  }
0x58: {  	_ =	shalt  }
0x59: {  	_ =	shalt  }
0x5a: {  	_ =	shalt  }
0x5b: {  	_ =	shalt  }
0x5c: {  	_ =	shalt  }
0x5d: {  	_ =	shalt  }
0x5e: {  	_ =	shalt  }
0x5f: {  	_ =	shalt  }
0x60: {  	_ =	shalt  }
0x61: {  	_ =	shalt  }
0x62: {  	_ =	shalt  }
0x63: {  	_ =	shalt  }
0x64: {  	_ =	shalt  }
0x65: {  	_ =	shalt  }
0x66: {  	_ =	shalt  }
0x67: {  	_ =	shalt  }
0x68: {  	_ =	shalt  }
0x69: {  	_ =	shalt  }
0x6a: {  	_ =	shalt  }
0x6b: {  	_ =	shalt  }
0x6c: {  	_ =	shalt  }
0x6d: {  	_ =	shalt  }
0x6e: {  	_ =	shalt  }
0x6f: {  	_ =	shalt  }
0x70: {  	_ =	shalt  }
0x71: {  	_ =	shalt  }
0x72: {  	_ =	shalt  }
0x73: {  	_ =	shalt  }
0x74: {  	_ =	shalt  }
0x75: {  	_ =	shalt  }
0x76: {  	_ =	shalt  }
0x77: {  	_ =	shalt  }
0x78: {  	_ =	shalt  }
0x79: {  	_ =	shalt  }
0x7a: {  	_ =	shalt  }
0x7b: {  	_ =	shalt  }
0x7c: {  	_ =	shalt  }
0x7d: {  	_ =	shalt  }
0x7e: {  	_ =	shalt  }
0x7f: {  	_ =	shalt  }
0x80: {  	_ =	shalt  }
0x81: {  	_ =	shalt  }
0x82: {  	_ =	shalt  }
0x83: {  	_ =	shalt  }
0x84: {  	_ =	shalt  }
0x85: {  	_ =	shalt  }
0x86: {  	_ =	shalt  }
0x87: {  	_ =	shalt  }
.Lfunc_end0:
.L_simem_size_0:
called_computation.2_lowered:
.L_overlay_start_0:
0x88: {  	s2 =	sld [smem:$0x3FD9]  }
0x89: {  	s3 =	sld [smem:$0x3FFE];
	_ =	sdelay $0x1  }
0x8a: {  	s1 =	srdreg.scid  }
0x8b: {  	s0 =	sand.u32 $0x1, s1  }
0x8c: {  	s14 =	sshll.u32 s0, $0xA;
	s2 =	sadd.s32 s3, s2  }
0x8d: {  	s2 =	sadd.s32 s2, s14  }
0x8e: {  	[smem:$0x3FB9] =	sst s2  }
0x8f: {  	_ = 	snop  }
0x90: {  	s2 =	sld [smem:$0x3FD0];
	_ =	sdelay $0x2  }
0x91: {  	s15 =	simm.s32 $0xA;
	s4 =	simm.s32 $0x10  }
0x92: {  	[smem:s4], [sflag:s15] =	dma.local [hbm:s2], $0x1  }
0x93: {  	_ =	swait.eq [sflag:s15], $0x1  }
0x94: {  	[sflag:s15] =	ssyncset.done $0x0  }
0x95: {  	s16 =	sld [smem:$0x10];
	[sflag:s15] =	ssyncadd.s32 $0xFFFFFFFF  }
0x96: {  	s17 =	sld [smem:$0x13];
	(tm) =	ssettm $0x1  }
0x97: {  	s18 =	sld [smem:$0x3FFB];
	_ =	sdelay $0x3  }
0x98: {  	_ =	strace s18  }
0x99: {  	s4 =	sld [smem:$0x3FFC];
	_ =	sdelay $0x3  }
0x9a: {  	_ =	strace s4  }
0x9b: {  	s4 =	sld [smem:$0x3FFD];
	_ =	sdelay $0x3  }
0x9c: {  	_ =	strace s4  }
0x9d: {  	_ =	strace $0x8FFFFFFF  }
0x9e: {  	s19 =	sld [smem:$0x3FDB];
	_ =	sdelay $0x1  }
0x9f: {  	s5 =	simm.s32 $_scs_section_size  }
0xa0: {  	s6 =	simm.s32 $_size__tile_overlayer_lowered;
	s7 =	simm.s32 $_tile_overlayer_lowered  }
0xa1: {  	s22 =	simm.s32 $0x1BFF;
	s21 =	sshll.u32 s7, $0x1;
	s4 =	sadd.s32 s5, s19  }
0xa2: {  	s8 =	simm.s32 $0x0;
	s20 =	sshll.u32 s6, $0x1;
	s6 =	sadd.s32 s21, s4  }
0xa3: {  	[timem:s8], [sflag:s22] =	dma.local [hbm:s6], s20  }
0xa4: {  	_ =	swait.ge [sflag:s22], s20  }
0xa5: {  	s5 =	ssub.s32 $0x0, s20;
	[sflag:s22] =	ssyncset.done $0x0  }
0xa6: {  	[sflag:s22] =	ssyncadd.s32 s5;
	_ =	sdelay $0x1  }
0xa7: {  	s23 =	simm.s32 $0x1B8B  }
0xa8: {  	_ =	swait.ge [sflag:s23], $0x1  }
0xa9: {  	[sflag:s23] =	ssyncset.done $0x0  }
0xaa: {  	s25 =	simm.s32 $0x1B8E;
	s24 =	sld [smem:$0x3FFE];
	[sflag:s23] =	ssyncadd.s32 $0xFFFFFFFF  }
0xab: {  	s26 =	simm.s32 $execute0_lowered;
	[smem:$0x3FD2] =	sst s25  }
0xac: {  	s6 =	sshll.u32 s26, $0x1;
	_ =	strace $0x8000004C;
	[dreg:$0x1] =	wrdreg $0xFFFFFFFF  }
0xad: {  	s28 =	simm.s32 $_size_execute0_lowered;
	s4 =	sadd.s32 s4, s6;
	[dreg:$0x0] =	wrdreg $0x0  }
0xae: {  	s6 =	sshll.u32 s28, $0x1;
	[dreg:$0x2] =	wrdreg s4  }
0xaf: {  	[dreg:$0x3] =	wrdreg s6  }
0xb0: {  	[dreg:$0x4] =	wrdreg $0xC0  }
0xb1: {  	_ =	task [dreg:s8], $0x5FFFF  }
0xb2: {  	[dreg:$0x1] =	wrdreg $0xFFFFFFFF  }
0xb3: {  	[dreg:$0x0] =	wrdreg $0x60  }
0xb4: {  	[dreg:$0x2] =	wrdreg s17  }
0xb5: {  	[dreg:$0x3] =	wrdreg s16  }
0xb6: {  	[dreg:$0x4] =	wrdreg s24  }
0xb7: {  	[dreg:$0x5] =	wrdreg $0x9  }
0xb8: {  	_ =	task.clear_ibuf [dreg:s8], $0x6FFFF;
	_ =	strace $0x9000004C  }
0xb9: {  	s29 =	simm.s32 $0x9;
	_ =	strace $0x8000004E  }
0xba: {  	_ =	swait.ge [sflag:s29], $0x1  }
0xbb: {  	[sflag:s29] =	ssyncadd.s32 $0xFFFFFFFF  }
0xbc: {  	_ =	strace $0x9000004E  }
0xbd: {  	_ =	sfence  }
0xbe: {  	s30 =	sld [smem:$0x0];
	_ =	sdelay $0x2  }
0xbf: {  	s31 =	sshll.u32 s1, $0xD;
	s1 =	sshrl.u32 s1, $0x2  }
0xc0: {  	s3 =	sand.u32 $0x4000, s31;
	s1 =	sadd.s32 s1, s30  }
0xc1: {  	s0 =	sor.u32 s3, s0;
	s1 =	sshll.u32 s1, $0x11  }
0xc2: {  	s0 =	sor.u32 s1, s0  }
0xc3: {  	s0 =	sadd.s32 $0x8F2B, s0  }
0xc4: {  	[sflag:s0] =	ssyncadd.remote.s32 $0x1  }
0xc5: {  	_ =	sfence.sel $0xFFFF  }
0xc6: {  	[dreg:$0x0] =	wrdreg $0xFFFFFFFF;
	(pc) =	sbr.abs _section_cstart, $3  }
0xc7: {  	[dreg:$0x1] =	wrdreg $0xFFFFFFFF  }
0xc8: {  	_ =	task.clear_ibuf [dreg:s8], $0x2FFFF;
	_ =	strace $0x9FFFFFFF  }
0xc9: {  	(tm) =	ssettm $0x7FFFFFFF  }
tec
execute0_lowered:
.L_overlay_start_1:
0x0: {  	(tag) =	ssettag $0x1  }
0x1: {  	s1 =	rddreg [dreg:$0x0]  }
0x2: {  	s4 =	rddreg [dreg:$0x1]  }
0x3: {  	s14 =	rddreg [dreg:$0x2];
	s2 =	srdreg.scid  }
0x4: {  	s0 =	rddreg [dreg:$0x3];
	s15 =	sand.u32 $0x1, s2  }
0x5: {  	s3 =	simm.s32 $0x0;
	s2 =	stileid.u32;
	s5 =	sshll.u32 s15, $0x6  }
0x6: {  	[smem:$0x7FF] =	sst s3;
	s6 =	sshll.u32 s2, $0x7;
	s4 =	sadd.s32 s4, s5  }
0x7: {  	_ =	strace $0x8000004D;
	s5 =	sadd.s32 s6, s4;
	s4 =	simm.s32 $0x2  }
0x8: {  	[tilespmem:s3], [sflag:$0x2] =	stream.linear.gather [hbm4b:s5+s3], $0x200, $0x38;
	[tilespmem:$0x10200] =	vst v63  }
0x9: {  	_ =	swait.ge [sflag:s4], $0x200  }
0xa: {  	[sflag:s4] =	ssyncset.done $0x0  }
0xb: {  	s7 =	simm.s32 $0x200;
	s6 =	simm.s32 $0x80;
	[sflag:s4] =	ssyncadd.s32 $0xFFFFFE00  }
0xc: {  	[tilespmem:s7], [sflag:$0x1] =	stream.indirect.gather [hbm4b:s1+s6], $0x80, s3, s6, $0xb8;
	[tilespmem:$0x10200] =	vst v63  }
0xd: {  	s8 =	simm.s32 $0x4200  }
0xe: {  	[tilespmem:s8], [sflag:$0x1] =	stream.indirect.gather [hbm4b:s1+s6], $0x80, s6, s6, $0xb8;
	[tilespmem:$0x10200] =	vst v63  }
0xf: {  	s9 =	simm.s32 $0x100;
	s10 =	simm.s32 $0x8200  }
0x10: {  	[tilespmem:s10], [sflag:$0x1] =	stream.indirect.gather [hbm4b:s1+s6], $0x80, s9, s6, $0xb8;
	[tilespmem:$0x10200] =	vst v63  }
0x11: {  	s11 =	simm.s32 $0x180;
	s12 =	simm.s32 $0xC200;
	s13 =	simm.s32 $0x1  }
0x12: {  	[tilespmem:s12], [sflag:$0x1] =	stream.indirect.gather [hbm4b:s1+s6], $0x80, s11, s6, $0xb8;
	[tilespmem:$0x10200] =	vst v63  }
0x13: {  	_ =	swait.ge [sflag:s13], $0x4000  }
0x14: {  	[sflag:s13] =	ssyncset.done $0x0  }
0x15: {  	[sflag:s13] =	ssyncadd.s32 $0xFFFFC000  }
0x16: {  	_ =	swait.ge [sflag:s13], $0x4000  }
0x17: {  	[sflag:s13] =	ssyncset.done $0x0  }
0x18: {  	s16 =	sshll.u32 s15, $0xD;
	s15 =	ssub.s32 $0x2, s15;
	[sflag:s13] =	ssyncadd.s32 $0xFFFFC000  }
0x19: {  	s31 =	sshrl.u32 s15, $0x1;
	_ =	swait.ge [sflag:s13], $0x4000  }
0x1a: {  	s15 =	ssub.s32 s15, s31;
	[sflag:s13] =	ssyncset.done $0x0  }
0x1b: {  	s17 =	sshll.u32 s2, $0xE;
	s15 =	smax.u32 s15, $0x1;
	[sflag:s13] =	ssyncadd.s32 $0xFFFFC000  }
0x1c: {  	s14 =	sadd.s32 s16, s14;
	p0 =	sne.s32 s15, $0x1;
	_ =	swait.ge [sflag:s13], $0x4000  }
.Ltmp0:
0x1d: {  	s14 =	sadd.s32 s17, s14;
	[sflag:s13] =	ssyncset.done $0x0;
	(pc) =	sbr.rel @!p0 .LBB2_2-.Ltmp0, $4  }
0x1e: {  	s14 =	sadd.s32 $0xD4C00, s14;
	[sflag:s13] =	ssyncadd.s32 $0xFFFFC000  }
0x1f: {  	[hbm4b:s14+s3] =	stream.linear.scatter [tilespmem:s7], [sflag:$0x2], $0x10000, $0x38;
	[tilespmem:$0x10200] =	vst v63  }
0x20: {  	_ =	swait.ge [sflag:s4], $0x10000  }
0x21: {  	s15 =	sadd.s32 $0xFFFFFFFF, s15;
	[sflag:s4] =	ssyncset.done $0x0  }
.LBB2_1:
0x22: {  	p0 =	sne.s32 s15, $0x1;
	s15 =	sadd.s32 $0xFFFFFFFF, s15;
	[sflag:s4] =	ssyncadd.s32 $0xFFFF0000  }
0x23: {  	[tilespmem:s3], [sflag:$0x2] =	stream.linear.gather [hbm4b:s5+s3], $0x200, $0x38;
	[tilespmem:$0x10200] =	vst v63  }
0x24: {  	_ =	swait.ge [sflag:s4], $0x200  }
0x25: {  	[sflag:s4] =	ssyncset.done $0x0  }
0x26: {  	[sflag:s4] =	ssyncadd.s32 $0xFFFFFE00  }
0x27: {  	[tilespmem:s7], [sflag:$0x1] =	stream.indirect.gather [hbm4b:s1+s6], $0x80, s3, s6, $0xb8;
	[tilespmem:$0x10200] =	vst v63  }
0x28: {  	_ = 	snop  }
0x29: {  	[tilespmem:s8], [sflag:$0x1] =	stream.indirect.gather [hbm4b:s1+s6], $0x80, s6, s6, $0xb8;
	[tilespmem:$0x10200] =	vst v63  }
0x2a: {  	_ = 	snop  }
0x2b: {  	[tilespmem:s10], [sflag:$0x1] =	stream.indirect.gather [hbm4b:s1+s6], $0x80, s9, s6, $0xb8;
	[tilespmem:$0x10200] =	vst v63  }
0x2c: {  	_ = 	snop  }
0x2d: {  	[tilespmem:s12], [sflag:$0x1] =	stream.indirect.gather [hbm4b:s1+s6], $0x80, s11, s6, $0xb8;
	[tilespmem:$0x10200] =	vst v63  }
0x2e: {  	_ =	swait.ge [sflag:s13], $0x4000  }
0x2f: {  	[sflag:s13] =	ssyncset.done $0x0  }
0x30: {  	[sflag:s13] =	ssyncadd.s32 $0xFFFFC000  }
0x31: {  	_ =	swait.ge [sflag:s13], $0x4000  }
0x32: {  	[sflag:s13] =	ssyncset.done $0x0  }
0x33: {  	[sflag:s13] =	ssyncadd.s32 $0xFFFFC000  }
0x34: {  	_ =	swait.ge [sflag:s13], $0x4000  }
0x35: {  	[sflag:s13] =	ssyncset.done $0x0  }
0x36: {  	[sflag:s13] =	ssyncadd.s32 $0xFFFFC000  }
0x37: {  	_ =	swait.ge [sflag:s13], $0x4000  }
.Ltmp1:
0x38: {  	[sflag:s13] =	ssyncset.done $0x0;
	(pc) =	sbr.rel @p0 .LBB2_1-.Ltmp1, $4  }
0x39: {  	[sflag:s13] =	ssyncadd.s32 $0xFFFFC000  }
0x3a: {  	[hbm4b:s14+s3] =	stream.linear.scatter [tilespmem:s7], [sflag:$0x2], $0x10000, $0x38;
	[tilespmem:$0x10200] =	vst v63  }
0x3b: {  	_ =	swait.ge [sflag:s4], $0x10000  }
0x3c: {  	[sflag:s4] =	ssyncset.done $0x0  }
.LBB2_2:
0x3d: {  	[sflag:s4] =	ssyncadd.s32 $0xFFFF0000  }
0x3e: {  	_ =	sfence.sel $0x180000  }
0x3f: {  	[bflag:$0x0] =	sbarrier.arrive $0xFFFF  }
0x40: {  	p0 =	sne.s32 s2, $0x0;
	_ =	strace $0x9000004D  }
0x41: {  	s0 =	sadd.s32 @!p0 $0x100000, s0;
	[bflag:$0x2] =	sbarrier.arrive $0xFFFF  }
0x42: {  	[sflag:s0] =	ssyncadd.tile.s32 @!p0 $0x1;
	_ =	shalt  }
.Lfunc_end2:
_tile_overlayer_lowered:
.L_overlay_start_2:
0x43: {  	(tag) =	ssettag $0x2  }
0x44: {  	s0 =	rddreg [dreg:$0x0];
	s2 =	stileid.u32  }
0x45: {  	s1 =	rddreg [dreg:$0x1];
	p0 =	sne.s32 s2, $0x0  }
0x46: {  	s3 =	rddreg [dreg:$0x2];
	[bflag:$0x3] =	sbarrier.arrive $0xFFFF;
	s2 =	simm.s32 @!p0 $0x1C02  }
0x47: {  	[timem:s3], [sflag:s2] =	dma.local @!p0 [hbm:s0], s1  }
0x48: {  	s0 =	simm.s32 @!p0 $0x2  }
0x49: {  	_ =	swait.ge @!p0 [sflag:s0], s1  }
0x4a: {  	s1 =	ssub.s32 @!p0 $0x0, s1;
	[sflag:s0] =	ssyncset.done @!p0 $0x0  }
0x4b: {  	[sflag:s0] =	ssyncadd.s32 @!p0 s1  }
0x4c: {  	[bflag:$0x3] =	sbarrier.arrive $0xFFFF  }
0x4d: {  	_ =	shalt  }

// kernel: _run.9.cloned.1.call-start
scs
__scs_entry_jumppad:
0x0: {  	(pc) =	sbr.rel $0x88, $3  }
0x1: {  	(tag) =	ssettag $0x0;
	lr =	simm.s32 $0x1  }
0x2: {  	[smem:$0x3F92] =	sst lr;
	_ =	strace $0xD0000000  }
0x3: {  	_ = 	snop  }
0x4: {  	_ = 	snop  }
0x5: {  	_ = 	snop  }
0x6: {  	_ = 	snop  }
0x7: {  	_ = 	snop  }
__scs_overlays_trampoline_lowered:
0x8: {  	[smem:$0x3FA1] =	sst s0  }
0x9: {  	[smem:$0x3FA2] =	sst s1  }
0xa: {  	[smem:$0x3FA3] =	sst s2  }
0xb: {  	[smem:$0x3FA4] =	sst s3  }
0xc: {  	[smem:$0x3FA5] =	sst s4  }
0xd: {  	[smem:$0x3FA6] =	sst s5  }
0xe: {  	[smem:$0x3FA7] =	sst s6  }
0xf: {  	[smem:$0x3FA8] =	sst s7  }
0x10: {  	[smem:$0x3FA9] =	sst s8  }
0x11: {  	[smem:$0x3FAA] =	sst s9;
	s0 =	simm.s32 @!p0 $0x0  }
0x12: {  	s1 =	sld [smem:$0x3F90];
	s0 =	simm.s32 @p0 $0x1  }
0x13: {  	[smem:$0x3FAB] =	sst s0;
	s0 =	simm.s32 @!p1 $0x0  }
0x14: {  	s2 =	sld [smem:$0x3F8F];
	s0 =	simm.s32 @p1 $0x1  }
0x15: {  	[smem:$0x3FAC] =	sst s0;
	s0 =	simm.s32 @!p2 $0x0  }
0x16: {  	s3 =	sld [smem:$0x3FDB];
	s0 =	simm.s32 @p2 $0x1  }
0x17: {  	s4 =	simm.s32 $0x1BF5;
	[smem:$0x3FAE] =	sst s0  }
0x18: {  	s0 =	sld [smem:$0x3F91];
	_ =	swait.ge [sflag:s4], $0x0  }
0x19: {  	s7 =	sld [smem:$0x3F92]  }
0x1a: {  	s8 =	sadd.s32 $0xFFFFE003, lr  }
0x1b: {  	s9 =	sadd.s32 $0xFFFFFEF7, lr;
	s5 =	simm.s32 $0xFFFFFFFF;
	p2 =	slt.u32 s8, $0xFFFFF086  }
0x1c: {  	p1 =	slt.u32 s9, $0xF7A;
	s5 =	simm.s32 @!p2 $0x0  }
0x1d: {  	s5 =	simm.s32 @p1 $0x1;
	p0 =	seq.s32 s7, s2  }
0x1e: {  	s7 =	smul.u32 @!p0 $0xF7A, s2;
	p2 =	seq.s32 @!p0 s5, $0x0  }
0x1f: {  	s9 =	smul.u32 $0xF7A, s1;
	s8 =	simm.s32 @!p0 $0x1BF5;
	p2 =	por !p2, p0  }
0x20: {  	[sflag:s8] =	ssyncset.s32 @!p0 $0xFFFFF086;
	s6 =	sadd.s32 @!p0 s3, s7;
	s7 =	simm.s32 @!p0 $0x108  }
0x21: {  	s3 =	sadd.s32 s3, s9;
	s6 =	sadd.s32 @!p0 $0x88, s6;
	s7 =	simm.s32 @p2 $0x1082  }
0x22: {  	[simem:s7], [sflag:s8] =	dma.local @!p0 [hbm:s6], $0xF7A  }
0x23: {  	s9 =	sor.u32 $0xD0000000, s2;
	s6 =	simm.s32 $0x108;
	_ =	swait.ge @!p0 [sflag:s8], $0x0  }
0x24: {  	s3 =	sadd.s32 $0x88, s3;
	s6 =	simm.s32 @!p1 $0x1082;
	[sflag:s4] =	ssyncset.s32 $0xFFFFF086  }
0x25: {  	[simem:s6], [sflag:s4] =	dma.local [hbm:s3], $0xF7A  }
0x26: {  	[smem:$0x3F92] =	sst s1;
	(tag) =	ssettag s2;
	_ =	strace s9  }
0x27: {  	s1 =	sld [smem:$0x3FA2]  }
0x28: {  	s2 =	sld [smem:$0x3FA3]  }
0x29: {  	s4 =	sld [smem:$0x3FA5]  }
0x2a: {  	p0 =	seq.s32 s5, $0x0;
	s5 =	sld [smem:$0x3FA6]  }
0x2b: {  	s6 =	sld [smem:$0x3FA7]  }
0x2c: {  	s7 =	sld [smem:$0x3FA8]  }
0x2d: {  	s3 =	simm.s32 $0x108;
	s8 =	sld [smem:$0x3FA9]  }
0x2e: {  	s3 =	simm.s32 @!p0 $0x1082;
	s9 =	sld [smem:$0x3FAA]  }
0x2f: {  	lr =	sadd.s32 s0, s3;
	s0 =	sld [smem:$0x3FA1]  }
0x30: {  	s3 =	sld [smem:$0x3FA4]  }
0x31: {  	[smem:$0x3FAD] =	sst s10  }
0x32: {  	s10 =	sld [smem:$0x3FAB];
	_ =	sdelay $0x3  }
0x33: {  	p0 =	seq.s32 s10, $0x1;
	s10 =	sld [smem:$0x3FAD];
	_ =	sdelay $0x3  }
0x34: {  	[smem:$0x3FAD] =	sst s10  }
0x35: {  	s10 =	sld [smem:$0x3FAC];
	_ =	sdelay $0x3  }
0x36: {  	p1 =	seq.s32 s10, $0x1;
	s10 =	sld [smem:$0x3FAD];
	_ =	sdelay $0x3  }
0x37: {  	[smem:$0x3FAD] =	sst s10  }
0x38: {  	s10 =	sld [smem:$0x3FAE]  }
0x39: {  	_ = 	snop;
	(pc) =	sbr.ind lr, $3  }
0x3a: {  	_ = 	snop  }
0x3b: {  	_ = 	snop  }
0x3c: {  	p2 =	seq.s32 s10, $0x1;
	s10 =	sld [smem:$0x3FAD]  }
0x3d: {  	_ =	shalt  }
0x3e: {  	_ =	shalt  }
0x3f: {  	_ =	shalt  }
0x40: {  	_ =	shalt  }
0x41: {  	_ =	shalt  }
0x42: {  	_ =	shalt  }
0x43: {  	_ =	shalt  }
0x44: {  	_ =	shalt  }
0x45: {  	_ =	shalt  }
0x46: {  	_ =	shalt  }
0x47: {  	_ =	shalt  }
0x48: {  	_ =	shalt  }
0x49: {  	_ =	shalt  }
0x4a: {  	_ =	shalt  }
0x4b: {  	_ =	shalt  }
0x4c: {  	_ =	shalt  }
0x4d: {  	_ =	shalt  }
0x4e: {  	_ =	shalt  }
0x4f: {  	_ =	shalt  }
0x50: {  	_ =	shalt  }
0x51: {  	_ =	shalt  }
0x52: {  	_ =	shalt  }
0x53: {  	_ =	shalt  }
0x54: {  	_ =	shalt  }
0x55: {  	_ =	shalt  }
0x56: {  	_ =	shalt  }
0x57: {  	_ =	shalt  }
0x58: {  	_ =	shalt  }
0x59: {  	_ =	shalt  }
0x5a: {  	_ =	shalt  }
0x5b: {  	_ =	shalt  }
0x5c: {  	_ =	shalt  }
0x5d: {  	_ =	shalt  }
0x5e: {  	_ =	shalt  }
0x5f: {  	_ =	shalt  }
0x60: {  	_ =	shalt  }
0x61: {  	_ =	shalt  }
0x62: {  	_ =	shalt  }
0x63: {  	_ =	shalt  }
0x64: {  	_ =	shalt  }
0x65: {  	_ =	shalt  }
0x66: {  	_ =	shalt  }
0x67: {  	_ =	shalt  }
0x68: {  	_ =	shalt  }
0x69: {  	_ =	shalt  }
0x6a: {  	_ =	shalt  }
0x6b: {  	_ =	shalt  }
0x6c: {  	_ =	shalt  }
0x6d: {  	_ =	shalt  }
0x6e: {  	_ =	shalt  }
0x6f: {  	_ =	shalt  }
0x70: {  	_ =	shalt  }
0x71: {  	_ =	shalt  }
0x72: {  	_ =	shalt  }
0x73: {  	_ =	shalt  }
0x74: {  	_ =	shalt  }
0x75: {  	_ =	shalt  }
0x76: {  	_ =	shalt  }
0x77: {  	_ =	shalt  }
0x78: {  	_ =	shalt  }
0x79: {  	_ =	shalt  }
0x7a: {  	_ =	shalt  }
0x7b: {  	_ =	shalt  }
0x7c: {  	_ =	shalt  }
0x7d: {  	_ =	shalt  }
0x7e: {  	_ =	shalt  }
0x7f: {  	_ =	shalt  }
0x80: {  	_ =	shalt  }
0x81: {  	_ =	shalt  }
0x82: {  	_ =	shalt  }
0x83: {  	_ =	shalt  }
0x84: {  	_ =	shalt  }
0x85: {  	_ =	shalt  }
0x86: {  	_ =	shalt  }
0x87: {  	_ =	shalt  }
.Lfunc_end0:
.L_simem_size_0:
called_computation_lowered:
.L_overlay_start_0:
0x88: {  	s2 =	sld [smem:$0x3FD9]  }
0x89: {  	s3 =	sld [smem:$0x3FFE];
	_ =	sdelay $0x1  }
0x8a: {  	s1 =	srdreg.scid  }
0x8b: {  	s0 =	sand.u32 $0x1, s1  }
0x8c: {  	s14 =	sshll.u32 s0, $0xA;
	s2 =	sadd.s32 s3, s2  }
0x8d: {  	s2 =	sadd.s32 s2, s14  }
0x8e: {  	[smem:$0x3FB9] =	sst s2  }
0x8f: {  	_ = 	snop  }
0x90: {  	s2 =	sld [smem:$0x3FD0];
	_ =	sdelay $0x2  }
0x91: {  	s15 =	simm.s32 $0xA;
	s4 =	simm.s32 $0x10  }
0x92: {  	[smem:s4], [sflag:s15] =	dma.local [hbm:s2], $0x1  }
0x93: {  	_ =	swait.eq [sflag:s15], $0x1  }
0x94: {  	[sflag:s15] =	ssyncset.done $0x0  }
0x95: {  	[sflag:s15] =	ssyncadd.s32 $0xFFFFFFFF  }
0x96: {  	s16 =	sld [smem:$0x12];
	(tm) =	ssettm $0x1  }
0x97: {  	s17 =	sld [smem:$0x3FFB];
	_ =	sdelay $0x3  }
0x98: {  	_ =	strace s17  }
0x99: {  	s3 =	sld [smem:$0x3FFC];
	_ =	sdelay $0x3  }
0x9a: {  	_ =	strace s3  }
0x9b: {  	s3 =	sld [smem:$0x3FFD];
	_ =	sdelay $0x3  }
0x9c: {  	_ =	strace s3  }
0x9d: {  	_ =	strace $0x8FFFFFFF  }
0x9e: {  	s18 =	sld [smem:$0x3FDB];
	_ =	sdelay $0x1  }
0x9f: {  	s19 =	simm.s32 $_scs_section_size  }
0xa0: {  	s5 =	simm.s32 $_size__tile_overlayer_lowered;
	s6 =	simm.s32 $_tile_overlayer_lowered  }
0xa1: {  	s22 =	simm.s32 $0x1BFF;
	s21 =	sshll.u32 s6, $0x1;
	s3 =	sadd.s32 s19, s18  }
0xa2: {  	s7 =	simm.s32 $0x0;
	s20 =	sshll.u32 s5, $0x1;
	s5 =	sadd.s32 s21, s3  }
0xa3: {  	[timem:s7], [sflag:s22] =	dma.local [hbm:s5], s20  }
0xa4: {  	_ =	swait.ge [sflag:s22], s20  }
0xa5: {  	s4 =	ssub.s32 $0x0, s20;
	[sflag:s22] =	ssyncset.done $0x0  }
0xa6: {  	[sflag:s22] =	ssyncadd.s32 s4;
	_ =	sdelay $0x1  }
0xa7: {  	s23 =	simm.s32 $0x1B8B  }
0xa8: {  	_ =	swait.ge [sflag:s23], $0x1  }
0xa9: {  	[sflag:s23] =	ssyncset.done $0x0  }
0xaa: {  	s25 =	simm.s32 $0x1B8E;
	s24 =	sld [smem:$0x3FFE];
	[sflag:s23] =	ssyncadd.s32 $0xFFFFFFFF  }
0xab: {  	s26 =	simm.s32 $execute0_lowered;
	[smem:$0x3FD2] =	sst s25  }
0xac: {  	s5 =	sshll.u32 s26, $0x1;
	_ =	strace $0x80000046;
	[dreg:$0x1] =	wrdreg $0xFFFFFFFF  }
0xad: {  	s28 =	simm.s32 $_size_execute0_lowered;
	s3 =	sadd.s32 s3, s5;
	[dreg:$0x0] =	wrdreg $0x0  }
0xae: {  	s5 =	sshll.u32 s28, $0x1;
	[dreg:$0x2] =	wrdreg s3  }
0xaf: {  	[dreg:$0x3] =	wrdreg s5  }
0xb0: {  	[dreg:$0x4] =	wrdreg $0xC0  }
0xb1: {  	_ =	task [dreg:s7], $0x5FFFF  }
0xb2: {  	[dreg:$0x1] =	wrdreg $0xFFFFFFFF  }
0xb3: {  	[dreg:$0x0] =	wrdreg $0x60  }
0xb4: {  	[dreg:$0x2] =	wrdreg s24  }
0xb5: {  	[dreg:$0x3] =	wrdreg s16  }
0xb6: {  	[dreg:$0x4] =	wrdreg $0x9  }
0xb7: {  	_ =	task.clear_ibuf [dreg:s7], $0x5FFFF;
	_ =	strace $0x90000046  }
0xb8: {  	s29 =	simm.s32 $0x9;
	_ =	strace $0x80000048  }
0xb9: {  	_ =	swait.ge [sflag:s29], $0x1  }
0xba: {  	[sflag:s29] =	ssyncadd.s32 $0xFFFFFFFF  }
0xbb: {  	_ =	strace $0x90000048  }
0xbc: {  	_ =	sfence  }
0xbd: {  	s30 =	sld [smem:$0x0];
	_ =	sdelay $0x2  }
0xbe: {  	s31 =	sshll.u32 s1, $0xD;
	s1 =	sshrl.u32 s1, $0x2  }
0xbf: {  	s3 =	sand.u32 $0x4000, s31;
	s1 =	sadd.s32 s1, s30  }
0xc0: {  	s0 =	sor.u32 s3, s0;
	s1 =	sshll.u32 s1, $0x11  }
0xc1: {  	s0 =	sor.u32 s1, s0  }
0xc2: {  	s0 =	sadd.s32 $0x8F2B, s0  }
0xc3: {  	[sflag:s0] =	ssyncadd.remote.s32 $0x1  }
0xc4: {  	_ =	sfence.sel $0xFFFF  }
0xc5: {  	[dreg:$0x0] =	wrdreg $0xFFFFFFFF;
	(pc) =	sbr.abs _section_cstart, $3  }
0xc6: {  	[dreg:$0x1] =	wrdreg $0xFFFFFFFF  }
0xc7: {  	_ =	task.clear_ibuf [dreg:s7], $0x2FFFF;
	_ =	strace $0x9FFFFFFF  }
0xc8: {  	(tm) =	ssettm $0x7FFFFFFF  }
0xc9: {  	_ =	shalt  }
tec
execute0_lowered:
.L_overlay_start_1:
0x0: {  	(tag) =	ssettag $0x1  }
0x1: {  	s14 =	rddreg [dreg:$0x0]  }
0x2: {  	s3 =	rddreg [dreg:$0x1];
	s1 =	srdreg.scid  }
0x3: {  	s0 =	rddreg [dreg:$0x2];
	s15 =	sand.u32 $0x1, s1  }
0x4: {  	s2 =	simm.s32 $0x0;
	s1 =	stileid.u32;
	s4 =	sshll.u32 s15, $0x6  }
0x5: {  	[smem:$0x7FF] =	sst s2;
	s5 =	sshll.u32 s1, $0x7;
	s3 =	sadd.s32 s3, s4  }
0x6: {  	_ =	strace $0x80000047;
	s4 =	sadd.s32 s5, s3;
	s3 =	simm.s32 $0x2  }
0x7: {  	[tilespmem:s2], [sflag:$0x2] =	stream.linear.gather [hbm4b:s4+s2], $0x200, $0x38;
	[tilespmem:$0x10200] =	vst v63  }
0x8: {  	_ =	swait.ge [sflag:s3], $0x200  }
0x9: {  	s6 =	simm.s32 $0x80;
	[sflag:s3] =	ssyncset.done $0x0  }
0xa: {  	s7 =	simm.s32 $0x200;
	s5 =	sadd.s32 $0xC00, s14;
	[sflag:s3] =	ssyncadd.s32 $0xFFFFFE00  }
0xb: {  	[tilespmem:s7], [sflag:$0x1] =	stream.indirect.gather [hbm4b:s5+s6], $0x80, s2, s6, $0xb8;
	[tilespmem:$0x10200] =	vst v63  }
0xc: {  	s8 =	simm.s32 $0x4200  }
0xd: {  	[tilespmem:s8], [sflag:$0x1] =	stream.indirect.gather [hbm4b:s5+s6], $0x80, s6, s6, $0xb8;
	[tilespmem:$0x10200] =	vst v63  }
0xe: {  	s9 =	simm.s32 $0x100;
	s10 =	simm.s32 $0x8200  }
0xf: {  	[tilespmem:s10], [sflag:$0x1] =	stream.indirect.gather [hbm4b:s5+s6], $0x80, s9, s6, $0xb8;
	[tilespmem:$0x10200] =	vst v63  }
0x10: {  	s11 =	simm.s32 $0x180;
	s12 =	simm.s32 $0xC200;
	s13 =	simm.s32 $0x1  }
0x11: {  	[tilespmem:s12], [sflag:$0x1] =	stream.indirect.gather [hbm4b:s5+s6], $0x80, s11, s6, $0xb8;
	[tilespmem:$0x10200] =	vst v63  }
0x12: {  	_ =	swait.ge [sflag:s13], $0x4000  }
0x13: {  	[sflag:s13] =	ssyncset.done $0x0  }
0x14: {  	[sflag:s13] =	ssyncadd.s32 $0xFFFFC000  }
0x15: {  	_ =	swait.ge [sflag:s13], $0x4000  }
0x16: {  	[sflag:s13] =	ssyncset.done $0x0  }
0x17: {  	s16 =	sshll.u32 s15, $0xD;
	s15 =	ssub.s32 $0x2, s15;
	[sflag:s13] =	ssyncadd.s32 $0xFFFFC000  }
0x18: {  	s31 =	sshrl.u32 s15, $0x1;
	_ =	swait.ge [sflag:s13], $0x4000  }
0x19: {  	s15 =	ssub.s32 s15, s31;
	[sflag:s13] =	ssyncset.done $0x0  }
0x1a: {  	s17 =	sshll.u32 s1, $0xE;
	s15 =	smax.u32 s15, $0x1;
	[sflag:s13] =	ssyncadd.s32 $0xFFFFC000  }
0x1b: {  	s14 =	sadd.s32 s16, s14;
	p0 =	sne.s32 s15, $0x1;
	_ =	swait.ge [sflag:s13], $0x4000  }
.Ltmp0:
0x1c: {  	s14 =	sadd.s32 s17, s14;
	[sflag:s13] =	ssyncset.done $0x0;
	(pc) =	sbr.rel @!p0 .LBB2_2-.Ltmp0, $4  }
0x1d: {  	s14 =	sadd.s32 $0x54C00, s14;
	[sflag:s13] =	ssyncadd.s32 $0xFFFFC000  }
0x1e: {  	[hbm4b:s14+s2] =	stream.linear.scatter [tilespmem:s7], [sflag:$0x2], $0x10000, $0x38;
	[tilespmem:$0x10200] =	vst v63  }
0x1f: {  	_ =	swait.ge [sflag:s3], $0x10000  }
0x20: {  	s15 =	sadd.s32 $0xFFFFFFFF, s15;
	[sflag:s3] =	ssyncset.done $0x0  }
.LBB2_1:
0x21: {  	p0 =	sne.s32 s15, $0x1;
	s15 =	sadd.s32 $0xFFFFFFFF, s15;
	[sflag:s3] =	ssyncadd.s32 $0xFFFF0000  }
0x22: {  	[tilespmem:s2], [sflag:$0x2] =	stream.linear.gather [hbm4b:s4+s2], $0x200, $0x38;
	[tilespmem:$0x10200] =	vst v63  }
0x23: {  	_ =	swait.ge [sflag:s3], $0x200  }
0x24: {  	[sflag:s3] =	ssyncset.done $0x0  }
0x25: {  	[sflag:s3] =	ssyncadd.s32 $0xFFFFFE00  }
0x26: {  	[tilespmem:s7], [sflag:$0x1] =	stream.indirect.gather [hbm4b:s5+s6], $0x80, s2, s6, $0xb8;
	[tilespmem:$0x10200] =	vst v63  }
0x27: {  	_ = 	snop  }
0x28: {  	[tilespmem:s8], [sflag:$0x1] =	stream.indirect.gather [hbm4b:s5+s6], $0x80, s6, s6, $0xb8;
	[tilespmem:$0x10200] =	vst v63  }
0x29: {  	_ = 	snop  }
0x2a: {  	[tilespmem:s10], [sflag:$0x1] =	stream.indirect.gather [hbm4b:s5+s6], $0x80, s9, s6, $0xb8;
	[tilespmem:$0x10200] =	vst v63  }
0x2b: {  	_ = 	snop  }
0x2c: {  	[tilespmem:s12], [sflag:$0x1] =	stream.indirect.gather [hbm4b:s5+s6], $0x80, s11, s6, $0xb8;
	[tilespmem:$0x10200] =	vst v63  }
0x2d: {  	_ =	swait.ge [sflag:s13], $0x4000  }
0x2e: {  	[sflag:s13] =	ssyncset.done $0x0  }
0x2f: {  	[sflag:s13] =	ssyncadd.s32 $0xFFFFC000  }
0x30: {  	_ =	swait.ge [sflag:s13], $0x4000  }
0x31: {  	[sflag:s13] =	ssyncset.done $0x0  }
0x32: {  	[sflag:s13] =	ssyncadd.s32 $0xFFFFC000  }
0x33: {  	_ =	swait.ge [sflag:s13], $0x4000  }
0x34: {  	[sflag:s13] =	ssyncset.done $0x0  }
0x35: {  	[sflag:s13] =	ssyncadd.s32 $0xFFFFC000  }
0x36: {  	_ =	swait.ge [sflag:s13], $0x4000  }
.Ltmp1:
0x37: {  	[sflag:s13] =	ssyncset.done $0x0;
	(pc) =	sbr.rel @p0 .LBB2_1-.Ltmp1, $4  }
0x38: {  	[sflag:s13] =	ssyncadd.s32 $0xFFFFC000  }
0x39: {  	[hbm4b:s14+s2] =	stream.linear.scatter [tilespmem:s7], [sflag:$0x2], $0x10000, $0x38;
	[tilespmem:$0x10200] =	vst v63  }
0x3a: {  	_ =	swait.ge [sflag:s3], $0x10000  }
0x3b: {  	[sflag:s3] =	ssyncset.done $0x0  }
.LBB2_2:
0x3c: {  	[sflag:s3] =	ssyncadd.s32 $0xFFFF0000  }
0x3d: {  	_ =	sfence.sel $0x180000  }
0x3e: {  	[bflag:$0x0] =	sbarrier.arrive $0xFFFF  }
0x3f: {  	p0 =	sne.s32 s1, $0x0;
	_ =	strace $0x90000047  }
0x40: {  	s0 =	sadd.s32 @!p0 $0x100000, s0;
	[bflag:$0x2] =	sbarrier.arrive $0xFFFF  }
0x41: {  	[sflag:s0] =	ssyncadd.tile.s32 @!p0 $0x1;
	_ =	shalt  }
.Lfunc_end2:
_tile_overlayer_lowered:
.L_overlay_start_2:
0x42: {  	(tag) =	ssettag $0x2  }
0x43: {  	s0 =	rddreg [dreg:$0x0];
	s2 =	stileid.u32  }
0x44: {  	s1 =	rddreg [dreg:$0x1];
	p0 =	sne.s32 s2, $0x0  }
0x45: {  	s3 =	rddreg [dreg:$0x2];
	[bflag:$0x3] =	sbarrier.arrive $0xFFFF;
	s2 =	simm.s32 @!p0 $0x1C02  }
0x46: {  	[timem:s3], [sflag:s2] =	dma.local @!p0 [hbm:s0], s1  }
0x47: {  	s0 =	simm.s32 @!p0 $0x2  }
0x48: {  	_ =	swait.ge @!p0 [sflag:s0], s1  }
0x49: {  	s1 =	ssub.s32 @!p0 $0x0, s1;
	[sflag:s0] =	ssyncset.done @!p0 $0x0  }
0x4a: {  	[sflag:s0] =	ssyncadd.s32 @!p0 s1  }
0x4b: {  	[bflag:$0x3] =	sbarrier.arrive $0xFFFF  }
0x4c: {  	_ =	shalt  }

</sc_bundles>
